<compile_context>
chip_gen: v7x
topology: tpu7x:2x2x1
jax: 0.10.2.dev20260603
libtpu: 0.0.44.dev20260713+nightly
codegen_flags: <defaults>
</compile_context>

<pallas_src>
import functools

import jax
import jax.numpy as jnp
from jax import lax
from jax.experimental import pallas as pl
from jax.experimental.pallas import tpu as pltpu
from jax.experimental.pallas import tpu_sc as plsc

N = 10000
E = 320000
D = 128
H = D // 2
Q = D // 4
NC, NS = 2, 16
NW = NC * NS
K = 128

NROW = 10240

CA = 158
AGG_PAD_SRC = N
ACC_ROWS = 10112
ACC_TILE = ACC_ROWS // NS
AGG_PAD_DST = N

CD = 79
DEG_ROWS = 10112
DEG_TILE = DEG_ROWS // NS
DEG_PAD_DST = N

_mesh = plsc.VectorSubcoreMesh(
    core_axis_name="c", subcore_axis_name="s", num_cores=NC, num_subcores=NS)
_sc_params = pltpu.CompilerParams(use_tc_tiling_on_sc=False,
                                  internal_scratch_in_bytes=262144)



@functools.partial(
    pl.kernel,
    out_type=jax.ShapeDtypeStruct((NC * DEG_ROWS, Q), jnp.float32),
    mesh=_mesh,
    scratch_types=[
        pltpu.VMEM((CD, K), jnp.int32),
        pltpu.VMEM((K, Q), jnp.float32),
        pltpu.VMEM_SHARED((DEG_ROWS, Q), jnp.float32),
    ],
    compiler_params=_sc_params,
)
def _deg_kernel(dst_hbm, ones_hbm, zeros_hbm, degp_hbm, didx_v, ones_v, deg_sh):
    c = lax.axis_index("c")
    s = lax.axis_index("s")
    w = c * NS + s
    pltpu.sync_copy(zeros_hbm, deg_sh.at[pl.ds(s * DEG_TILE, DEG_TILE)])
    pltpu.sync_copy(ones_hbm, ones_v)
    pltpu.sync_copy(dst_hbm.at[w], didx_v)
    plsc.subcore_barrier()

    @pl.loop(0, CD)
    def _(j):
        pltpu.sync_copy(ones_v, deg_sh.at[didx_v.at[j]], add=True)

    plsc.subcore_barrier()
    pltpu.sync_copy(deg_sh.at[pl.ds(s * DEG_TILE, DEG_TILE)],
                    degp_hbm.at[pl.ds(c * DEG_ROWS + s * DEG_TILE, DEG_TILE)])


@functools.partial(
    pl.kernel,
    out_type=jax.ShapeDtypeStruct((NC * ACC_ROWS, H), jnp.float32),
    mesh=_mesh,
    scratch_types=[
        pltpu.VMEM((CA + 2, K), jnp.int32),
        pltpu.VMEM((CA + 2, K), jnp.int32),
    ] + [pltpu.VMEM((K, H), jnp.float32)] * 4 + [
        pltpu.VMEM_SHARED((ACC_ROWS, H), jnp.float32),
    ] + [pltpu.SemaphoreType.DMA] * 4,
    compiler_params=_sc_params,
)
def _agg_kernel(hp_hbm, src_hbm, dst_hbm, zeros_hbm, outp_hbm,
                sidx_v, didx_v, b0, b1, b2, b3,
                acc_sh, s0, s1, s2, s3):
    c = lax.axis_index("c")
    s = lax.axis_index("s")
    bufs = (b0, b1, b2, b3)
    sems = (s0, s1, s2, s3)

    def _gather(j, b):
        return pltpu.async_copy(hp_hbm.at[sidx_v.at[j]], bufs[b], sems[b])

    def _gather_wait(j, b):
        pltpu.make_async_copy(hp_hbm.at[sidx_v.at[j]], bufs[b], sems[b]).wait()

    def _scatter(j, b):
        return pltpu.async_copy(bufs[b], acc_sh.at[didx_v.at[j]], sems[b],
                                add=True)

    def _scatter_wait(j, b):
        pltpu.make_async_copy(bufs[b], acc_sh.at[didx_v.at[j]], sems[b]).wait()

    pltpu.sync_copy(dst_hbm.at[s], didx_v)
    pltpu.sync_copy(zeros_hbm, acc_sh.at[pl.ds(s * ACC_TILE, ACC_TILE)])
    pltpu.sync_copy(src_hbm.at[c * NS + s], sidx_v)
    plsc.subcore_barrier()

    for j in range(2):
        _gather(j, j)
    for j in range(2):
        _gather_wait(j, j)
        _gather(j + 2, j + 2)
        _scatter(j, j)

    @pl.loop(2, CA, step=4)
    def _(j):
        for k in range(4):
            jj = j + k
            b = (2 + k) % 4
            _gather_wait(jj, b)
            _scatter_wait(jj - 2, (b + 2) % 4)
            _gather(jj + 2, (b + 2) % 4)
            _scatter(jj, b)

    for j in range(CA - 2, CA):
        _scatter_wait(j, j % 4)
    for j in range(CA, CA + 2):
        _gather_wait(j, j % 4)
    plsc.subcore_barrier()
    pltpu.sync_copy(acc_sh.at[pl.ds(s * ACC_TILE, ACC_TILE)],
                    outp_hbm.at[pl.ds(c * ACC_ROWS + s * ACC_TILE, ACC_TILE)])



_R = 2048
_GRID = NROW // _R

_x_spec = pl.BlockSpec((_R, D), lambda i: (i, 0))
_hp_spec = pl.BlockSpec((2, _R, H), lambda i: (0, i, 0))
_half0_spec = pl.BlockSpec((1, _R, H), lambda i: (0, i, 0))
_half1_spec = pl.BlockSpec((1, _R, H), lambda i: (1, i, 0))
_deg0_spec = pl.BlockSpec((1, _R, Q), lambda i: (0, i, 0))
_deg1_spec = pl.BlockSpec((1, _R, Q), lambda i: (1, i, 0))
_w_spec = pl.BlockSpec((D, D), lambda i: (0, 0))
_b_spec = pl.BlockSpec((1, D), lambda i: (0, 0))


def _valid_rows(nrows):
    rid = lax.broadcasted_iota(jnp.int32, (_R, 1), 0) + pl.program_id(0) * _R
    return rid < nrows


def _ds_of(d0_ref, d1_ref):
    return lax.rsqrt(d0_ref[0][:, :1] + d1_ref[0][:, :1] + 1.0)


def _split_out(out_ref, hp):
    out_ref[0] = hp[:, :H]
    out_ref[1] = hp[:, H:]


def _tc1_body(x_ref, d0_ref, d1_ref, w_ref, out_ref):
    ds = _ds_of(d0_ref, d1_ref)
    h = lax.dot_general(x_ref[...], w_ref[...], (((1,), (1,)), ((), ())),
                        preferred_element_type=jnp.float32)
    _split_out(out_ref, jnp.where(_valid_rows(N), ds * h, 0.0))


_tc1 = pl.pallas_call(
    _tc1_body,
    grid=(_GRID,),
    in_specs=[_x_spec, _deg0_spec, _deg1_spec, _w_spec],
    out_specs=_hp_spec,
    out_shape=jax.ShapeDtypeStruct((2, NROW, H), jnp.float32),
)


def _tc2_body(a0, a1, h0, h1, d0_ref, d1_ref, b_ref, w_ref, out_ref):
    ds = _ds_of(d0_ref, d1_ref)
    z = jnp.concatenate([a0[0] + h0[0], a1[0] + h1[0]], axis=1)
    h = jnp.tanh(ds * z + b_ref[...])
    hp = ds * lax.dot_general(h, w_ref[...], (((1,), (1,)), ((), ())),
                              preferred_element_type=jnp.float32)
    _split_out(out_ref, jnp.where(_valid_rows(N), hp, 0.0))


_tc2 = pl.pallas_call(
    _tc2_body,
    grid=(_GRID,),
    in_specs=[_half0_spec, _half1_spec, _half0_spec, _half1_spec,
              _deg0_spec, _deg1_spec, _b_spec, _w_spec],
    out_specs=_hp_spec,
    out_shape=jax.ShapeDtypeStruct((2, NROW, H), jnp.float32),
)


def _tc3_body(a0, a1, h0, h1, d0_ref, d1_ref, b_ref, w_ref, br_ref, out_ref):
    ds = _ds_of(d0_ref, d1_ref)
    z = jnp.concatenate([a0[0] + h0[0], a1[0] + h1[0]], axis=1)
    h = jnp.tanh(ds * z + b_ref[...])
    y = lax.dot_general(h, w_ref[...], (((1,), (1,)), ((), ())),
                        preferred_element_type=jnp.float32) + br_ref[...]
    out_ref[...] = jax.nn.sigmoid(y) * 0.8 + 0.1


_tc3 = pl.pallas_call(
    _tc3_body,
    grid=(_GRID,),
    in_specs=[_half0_spec, _half1_spec, _half0_spec, _half1_spec,
              _deg0_spec, _deg1_spec, _b_spec, _w_spec, _b_spec],
    out_specs=pl.BlockSpec((_R, D), lambda i: (i, 0)),
    out_shape=jax.ShapeDtypeStruct((N, D), jnp.float32),
)



def kernel(x, edge_index, W1, b1, W2, b2, Wr, br):
    src = edge_index[0].astype(jnp.int32)
    dst = edge_index[1].astype(jnp.int32)

    padd = NW * CD * K - E
    dstd = jnp.concatenate([dst, jnp.full((padd,), DEG_PAD_DST, jnp.int32)])
    dstd = dstd.reshape(NW, CD, K)

    pada = NS * CA * K - E
    srca = jnp.concatenate([src, jnp.full((pada,), AGG_PAD_SRC, jnp.int32)])
    srca = srca.reshape(NS, CA, K)
    dsta = jnp.concatenate([dst, jnp.full((pada,), AGG_PAD_DST, jnp.int32)])
    dsta = dsta.reshape(NS, CA, K)
    extra = jnp.full((NS, 2, K), AGG_PAD_SRC, jnp.int32)
    srca = jnp.concatenate([srca, extra], axis=1)
    dsta = jnp.concatenate([dsta, extra], axis=1)
    srca = jnp.concatenate([srca, srca + NROW], axis=0)

    xp = jnp.concatenate([x, jnp.zeros((NROW - N, D), jnp.float32)])

    onesQ = jnp.ones((K, Q), jnp.float32)
    zerosQ = jnp.zeros((DEG_TILE, Q), jnp.float32)
    zerosH = jnp.zeros((ACC_TILE, H), jnp.float32)
    b1r = b1.reshape(1, D)
    b2r = b2.reshape(1, D)
    brr = br.reshape(1, D)

    degp = _deg_kernel(dstd, onesQ, zerosQ).reshape(NC, DEG_ROWS, Q)
    h1p = _tc1(xp, degp, degp, W1)
    acc1 = _agg_kernel(h1p.reshape(NC * NROW, H), srca, dsta,
                       zerosH).reshape(NC, ACC_ROWS, H)
    h2p = _tc2(acc1, acc1, h1p, h1p, degp, degp, b1r, W2)
    acc2 = _agg_kernel(h2p.reshape(NC * NROW, H), srca, dsta,
                       zerosH).reshape(NC, ACC_ROWS, H)
    return _tc3(acc2, acc2, h2p, h2p, degp, degp, b2r, Wr, brr)

# --- scband reference (transcript-rebuilt; emitter-appended) ---
"""Pipeline reference for scband-nbe-gnn-82540681494792 (READ-ONLY COPY).

The authoritative reference and input builder live on the scoring server;
editing this copy changes nothing except your own understanding.
"""

import jax, jax.numpy as jnp
import numpy as np

N_NODES = 10000
N_EDGES = 320000
D_IN = 128
D_HID = 128
D_OUT = 128


def setup_inputs(seed: int = 0) -> dict:
    key = jax.random.key(seed)
    ks = jax.random.split(key, 8)
    x = jax.random.normal(ks[0], (N_NODES, D_IN), dtype=jnp.float32)
    edge_index = jax.random.randint(ks[1], (2, N_EDGES), 0, N_NODES, dtype=jnp.int64)
    # GCNConv linear weights (PyG style: out = x @ W.T, glorot init) and biases
    s1 = (6.0 / (D_IN + D_HID)) ** 0.5
    W1 = jax.random.uniform(ks[2], (D_HID, D_IN), dtype=jnp.float32, minval=-s1, maxval=s1)
    b1 = jnp.zeros((D_HID,), dtype=jnp.float32)
    s2 = (6.0 / (D_HID + D_HID)) ** 0.5
    W2 = jax.random.uniform(ks[3], (D_HID, D_HID), dtype=jnp.float32, minval=-s2, maxval=s2)
    b2 = jnp.zeros((D_HID,), dtype=jnp.float32)
    # readout nn.Linear
    sr = 1.0 / (D_HID ** 0.5)
    Wr = jax.random.uniform(ks[4], (D_OUT, D_HID), dtype=jnp.float32, minval=-sr, maxval=sr)
    br = jax.random.uniform(ks[5], (D_OUT,), dtype=jnp.float32, minval=-sr, maxval=sr)
    return {"x": x, "edge_index": edge_index, "W1": W1, "b1": b1, "W2": W2, "b2": b2, "Wr": Wr, "br": br}


def _gcn_conv(x, src, dst, W, b):
    n = x.shape[0]
    # add self loops
    loop = jnp.arange(n, dtype=src.dtype)
    src_f = jnp.concatenate([src, loop])
    dst_f = jnp.concatenate([dst, loop])
    # symmetric normalization (gcn_norm): deg computed over dst
    deg = jnp.zeros((n,), dtype=x.dtype).at[dst_f].add(1.0)
    deg_inv_sqrt = jnp.where(deg > 0, deg ** -0.5, 0.0)
    norm = deg_inv_sqrt[src_f] * deg_inv_sqrt[dst_f]
    h = x @ W.T
    msg = h[src_f] * norm[:, None]
    out = jnp.zeros((n, h.shape[1]), dtype=x.dtype).at[dst_f].add(msg)
    return out + b


def reference(x, edge_index, W1, b1, W2, b2, Wr, br):
    src = edge_index[0]
    dst = edge_index[1]
    # layer 1
    h = _gcn_conv(x, src, dst, W1, b1)
    h = jnp.tanh(h)
    # dropout: eval mode -> identity
    # layer 2
    h = _gcn_conv(h, src, dst, W2, b2)
    h = jnp.tanh(h)
    # readout linear
    out = h @ Wr.T + br
    out = jax.nn.sigmoid(out) * 0.8 + 0.1
    return out

if __name__ == "__main__":
    import jax
    _d = setup_inputs()
    print(jax.jit(kernel)(*tuple(_d.values())))

</pallas_src>

<mosaic_0001>
#map = affine_map<(d0, d1) -> (0, 0)>
#map1 = affine_map<(d0, d1) -> (0, 0, 0)>
module attributes {stable_mosaic.version = 14 : i64} {
  func.func @_agg_kernel(%arg0: i32, %arg1: i32, %arg2: memref<20480x64xf32, #tpu.memory_space<hbm>>, %arg3: memref<32x160x128xi32, #tpu.memory_space<hbm>>, %arg4: memref<16x160x128xi32, #tpu.memory_space<hbm>>, %arg5: memref<632x64xf32, #tpu.memory_space<hbm>>, %arg6: memref<20224x64xf32, #tpu.memory_space<hbm>>, %arg7: memref<160x128xi32, #tpu.memory_space<vmem>>, %arg8: memref<160x128xi32, #tpu.memory_space<vmem>>, %arg9: memref<128x64xf32, #tpu.memory_space<vmem>>, %arg10: memref<128x64xf32, #tpu.memory_space<vmem>>, %arg11: memref<128x64xf32, #tpu.memory_space<vmem>>, %arg12: memref<128x64xf32, #tpu.memory_space<vmem>>, %arg13: memref<10112x64xf32, #tpu.memory_space<vmem_shared>>, %arg14: memref<!tpu.dma_semaphore, #tpu.memory_space<semaphore_mem>>, %arg15: memref<!tpu.dma_semaphore, #tpu.memory_space<semaphore_mem>>, %arg16: memref<!tpu.dma_semaphore, #tpu.memory_space<semaphore_mem>>, %arg17: memref<!tpu.dma_semaphore, #tpu.memory_space<semaphore_mem>>) attributes {dimension_semantics = [#tpu.dimension_semantics<core_parallel>, #tpu.dimension_semantics<subcore_parallel>], iteration_bounds = array<i64: 2, 16>, scalar_prefetch = 0 : i64, scratch_operands = 11 : i64, tpu.core_type = #tpu.core_type<sc_vector_subcore>, window_params = [{transform_indices = #map}, {transform_indices = #map1}, {transform_indices = #map1}, {transform_indices = #map}, {transform_indices = #map}]} {
    "tpu.region"() ({
      %run_scoped3A = tpu.sem_alloc : memref<!tpu.dma_semaphore, #tpu.memory_space<semaphore_mem>>
      %dma_start3A_97 = arith.constant 0 : i32
      %dma_start3A_98 = arith.constant 0 : i32
      %dma_start3A_99 = tpu.memref_slice %arg4[%arg1, %dma_start3A_97, %dma_start3A_98] : memref<16x160x128xi32, #tpu.memory_space<hbm>> -> memref<1x160x128xi32, #tpu.memory_space<hbm>>
      %dma_start3A_100 = tpu.memref_squeeze %dma_start3A_99 : memref<1x160x128xi32, #tpu.memory_space<hbm>> -> memref<160x128xi32, #tpu.memory_space<hbm>>
      %dma_start3A_101 = arith.constant 0 : i32
      %dma_start3A_102 = arith.constant 0 : i32
      %dma_start3A_103 = tpu.memref_slice %arg4[%arg1, %dma_start3A_101, %dma_start3A_102] : memref<16x160x128xi32, #tpu.memory_space<hbm>> -> memref<1x160x128xi32, #tpu.memory_space<hbm>>
      %dma_start3A_104 = tpu.memref_squeeze %dma_start3A_103 : memref<1x160x128xi32, #tpu.memory_space<hbm>> -> memref<160x128xi32, #tpu.memory_space<hbm>>
      tpu.enqueue_dma source(%dma_start3A_104 : memref<160x128xi32, #tpu.memory_space<hbm>>) target(%arg8 : memref<160x128xi32, #tpu.memory_space<vmem>>) target_semaphore(%run_scoped3A : memref<!tpu.dma_semaphore, #tpu.memory_space<semaphore_mem>>)
      %dma_wait3A_105 = arith.constant 0 : i32
      %dma_wait3A_106 = arith.constant 0 : i32
      %dma_wait3A_107 = tpu.memref_slice %arg4[%arg1, %dma_wait3A_105, %dma_wait3A_106] : memref<16x160x128xi32, #tpu.memory_space<hbm>> -> memref<1x160x128xi32, #tpu.memory_space<hbm>>
      %dma_wait3A_108 = tpu.memref_squeeze %dma_wait3A_107 : memref<1x160x128xi32, #tpu.memory_space<hbm>> -> memref<160x128xi32, #tpu.memory_space<hbm>>
      %dma_wait3A_109 = arith.constant 0 : i32
      %dma_wait3A_110 = arith.constant 0 : i32
      %dma_wait3A_111 = tpu.memref_slice %arg4[%arg1, %dma_wait3A_109, %dma_wait3A_110] : memref<16x160x128xi32, #tpu.memory_space<hbm>> -> memref<1x160x128xi32, #tpu.memory_space<hbm>>
      %dma_wait3A_112 = tpu.memref_squeeze %dma_wait3A_111 : memref<1x160x128xi32, #tpu.memory_space<hbm>> -> memref<160x128xi32, #tpu.memory_space<hbm>>
      tpu.wait_dma2 semaphore(%run_scoped3A : memref<!tpu.dma_semaphore, #tpu.memory_space<semaphore_mem>>) src(%dma_wait3A_112 : memref<160x128xi32, #tpu.memory_space<hbm>>) dst(%arg8 : memref<160x128xi32, #tpu.memory_space<vmem>>)
      tpu.yield
    }) : () -> ()
    %mul3A = arith.constant 632 : i32
    %mul3A_0 = arith.muli %arg1, %mul3A : i32
    "tpu.region"() ({
      %run_scoped3A = tpu.sem_alloc : memref<!tpu.dma_semaphore, #tpu.memory_space<semaphore_mem>>
      %dma_start3A_97 = arith.constant 0 : i32
      %dma_start3A_98 = tpu.memref_slice %arg13[%mul3A_0, %dma_start3A_97] : memref<10112x64xf32, #tpu.memory_space<vmem_shared>> -> memref<632x64xf32, #tpu.memory_space<vmem_shared>>
      tpu.enqueue_dma source(%arg5 : memref<632x64xf32, #tpu.memory_space<hbm>>) target(%dma_start3A_98 : memref<632x64xf32, #tpu.memory_space<vmem_shared>>) target_semaphore(%run_scoped3A : memref<!tpu.dma_semaphore, #tpu.memory_space<semaphore_mem>>)
      %dma_wait3A_99 = arith.constant 0 : i32
      %dma_wait3A_100 = tpu.memref_slice %arg13[%mul3A_0, %dma_wait3A_99] : memref<10112x64xf32, #tpu.memory_space<vmem_shared>> -> memref<632x64xf32, #tpu.memory_space<vmem_shared>>
      tpu.wait_dma2 semaphore(%run_scoped3A : memref<!tpu.dma_semaphore, #tpu.memory_space<semaphore_mem>>) src(%arg5 : memref<632x64xf32, #tpu.memory_space<hbm>>) dst(%dma_wait3A_100 : memref<632x64xf32, #tpu.memory_space<vmem_shared>>)
      tpu.yield
    }) : () -> ()
    %mul3A_1 = arith.constant 16 : i32
    %mul3A_2 = arith.muli %arg0, %mul3A_1 : i32
    %add3A = arith.addi %mul3A_2, %arg1 : i32
    "tpu.region"() ({
      %run_scoped3A = tpu.sem_alloc : memref<!tpu.dma_semaphore, #tpu.memory_space<semaphore_mem>>
      %dma_start3A_97 = arith.constant 0 : i32
      %dma_start3A_98 = arith.constant 0 : i32
      %dma_start3A_99 = tpu.memref_slice %arg3[%add3A, %dma_start3A_97, %dma_start3A_98] : memref<32x160x128xi32, #tpu.memory_space<hbm>> -> memref<1x160x128xi32, #tpu.memory_space<hbm>>
      %dma_start3A_100 = tpu.memref_squeeze %dma_start3A_99 : memref<1x160x128xi32, #tpu.memory_space<hbm>> -> memref<160x128xi32, #tpu.memory_space<hbm>>
      %dma_start3A_101 = arith.constant 0 : i32
      %dma_start3A_102 = arith.constant 0 : i32
      %dma_start3A_103 = tpu.memref_slice %arg3[%add3A, %dma_start3A_101, %dma_start3A_102] : memref<32x160x128xi32, #tpu.memory_space<hbm>> -> memref<1x160x128xi32, #tpu.memory_space<hbm>>
      %dma_start3A_104 = tpu.memref_squeeze %dma_start3A_103 : memref<1x160x128xi32, #tpu.memory_space<hbm>> -> memref<160x128xi32, #tpu.memory_space<hbm>>
      tpu.enqueue_dma source(%dma_start3A_104 : memref<160x128xi32, #tpu.memory_space<hbm>>) target(%arg7 : memref<160x128xi32, #tpu.memory_space<vmem>>) target_semaphore(%run_scoped3A : memref<!tpu.dma_semaphore, #tpu.memory_space<semaphore_mem>>)
      %dma_wait3A_105 = arith.constant 0 : i32
      %dma_wait3A_106 = arith.constant 0 : i32
      %dma_wait3A_107 = tpu.memref_slice %arg3[%add3A, %dma_wait3A_105, %dma_wait3A_106] : memref<32x160x128xi32, #tpu.memory_space<hbm>> -> memref<1x160x128xi32, #tpu.memory_space<hbm>>
      %dma_wait3A_108 = tpu.memref_squeeze %dma_wait3A_107 : memref<1x160x128xi32, #tpu.memory_space<hbm>> -> memref<160x128xi32, #tpu.memory_space<hbm>>
      %dma_wait3A_109 = arith.constant 0 : i32
      %dma_wait3A_110 = arith.constant 0 : i32
      %dma_wait3A_111 = tpu.memref_slice %arg3[%add3A, %dma_wait3A_109, %dma_wait3A_110] : memref<32x160x128xi32, #tpu.memory_space<hbm>> -> memref<1x160x128xi32, #tpu.memory_space<hbm>>
      %dma_wait3A_112 = tpu.memref_squeeze %dma_wait3A_111 : memref<1x160x128xi32, #tpu.memory_space<hbm>> -> memref<160x128xi32, #tpu.memory_space<hbm>>
      tpu.wait_dma2 semaphore(%run_scoped3A : memref<!tpu.dma_semaphore, #tpu.memory_space<semaphore_mem>>) src(%dma_wait3A_112 : memref<160x128xi32, #tpu.memory_space<hbm>>) dst(%arg7 : memref<160x128xi32, #tpu.memory_space<vmem>>)
      tpu.yield
    }) : () -> ()
    %barrier3A = arith.constant 0 : index
    tpu.barrier barrier_id(%barrier3A)
    %dma_start3A = arith.constant 0 : i32
    %dma_start3A_3 = arith.constant 0 : i32
    %dma_start3A_4 = tpu.memref_slice %arg7[%dma_start3A, %dma_start3A_3] : memref<160x128xi32, #tpu.memory_space<vmem>> -> memref<1x128xi32, #tpu.memory_space<vmem>>
    %dma_start3A_5 = tpu.memref_squeeze %dma_start3A_4 : memref<1x128xi32, #tpu.memory_space<vmem>> -> memref<128xi32, #tpu.memory_space<vmem>>
    %dma_start3A_6 = arith.constant 0 : i32
    %dma_start3A_7 = arith.constant 0 : i32
    %dma_start3A_8 = tpu.memref_slice %arg2[%dma_start3A_6, %dma_start3A_7] : memref<20480x64xf32, #tpu.memory_space<hbm>> -> memref<20480x64xf32, #tpu.memory_space<hbm>>
    tpu.enqueue_indirect_dma source(%dma_start3A_8 : memref<20480x64xf32, #tpu.memory_space<hbm>>) target(%arg9 : memref<128x64xf32, #tpu.memory_space<vmem>>) offsets(%dma_start3A_5 : memref<128xi32, #tpu.memory_space<vmem>>) semaphore(%arg14 : memref<!tpu.dma_semaphore, #tpu.memory_space<semaphore_mem>>)
    %dma_start3A_9 = arith.constant 1 : i32
    %dma_start3A_10 = arith.constant 0 : i32
    %dma_start3A_11 = tpu.memref_slice %arg7[%dma_start3A_9, %dma_start3A_10] : memref<160x128xi32, #tpu.memory_space<vmem>> -> memref<1x128xi32, #tpu.memory_space<vmem>>
    %dma_start3A_12 = tpu.memref_squeeze %dma_start3A_11 : memref<1x128xi32, #tpu.memory_space<vmem>> -> memref<128xi32, #tpu.memory_space<vmem>>
    %dma_start3A_13 = arith.constant 0 : i32
    %dma_start3A_14 = arith.constant 0 : i32
    %dma_start3A_15 = tpu.memref_slice %arg2[%dma_start3A_13, %dma_start3A_14] : memref<20480x64xf32, #tpu.memory_space<hbm>> -> memref<20480x64xf32, #tpu.memory_space<hbm>>
    tpu.enqueue_indirect_dma source(%dma_start3A_15 : memref<20480x64xf32, #tpu.memory_space<hbm>>) target(%arg10 : memref<128x64xf32, #tpu.memory_space<vmem>>) offsets(%dma_start3A_12 : memref<128xi32, #tpu.memory_space<vmem>>) semaphore(%arg15 : memref<!tpu.dma_semaphore, #tpu.memory_space<semaphore_mem>>)
    %dma_wait3A = arith.constant 0 : i32
    %dma_wait3A_16 = arith.constant 0 : i32
    %dma_wait3A_17 = tpu.memref_slice %arg7[%dma_wait3A, %dma_wait3A_16] : memref<160x128xi32, #tpu.memory_space<vmem>> -> memref<1x128xi32, #tpu.memory_space<vmem>>
    %dma_wait3A_18 = tpu.memref_squeeze %dma_wait3A_17 : memref<1x128xi32, #tpu.memory_space<vmem>> -> memref<128xi32, #tpu.memory_space<vmem>>
    %dma_wait3A_19 = arith.constant 0 : i32
    %dma_wait3A_20 = arith.constant 0 : i32
    %dma_wait3A_21 = tpu.memref_slice %arg2[%dma_wait3A_19, %dma_wait3A_20] : memref<20480x64xf32, #tpu.memory_space<hbm>> -> memref<20480x64xf32, #tpu.memory_space<hbm>>
    tpu.wait_indirect_dma semaphore(%arg14 : memref<!tpu.dma_semaphore, #tpu.memory_space<semaphore_mem>>) src(%dma_wait3A_21 : memref<20480x64xf32, #tpu.memory_space<hbm>>) dst(%arg9 : memref<128x64xf32, #tpu.memory_space<vmem>>)
    %dma_start3A_22 = arith.constant 2 : i32
    %dma_start3A_23 = arith.constant 0 : i32
    %dma_start3A_24 = tpu.memref_slice %arg7[%dma_start3A_22, %dma_start3A_23] : memref<160x128xi32, #tpu.memory_space<vmem>> -> memref<1x128xi32, #tpu.memory_space<vmem>>
    %dma_start3A_25 = tpu.memref_squeeze %dma_start3A_24 : memref<1x128xi32, #tpu.memory_space<vmem>> -> memref<128xi32, #tpu.memory_space<vmem>>
    %dma_start3A_26 = arith.constant 0 : i32
    %dma_start3A_27 = arith.constant 0 : i32
    %dma_start3A_28 = tpu.memref_slice %arg2[%dma_start3A_26, %dma_start3A_27] : memref<20480x64xf32, #tpu.memory_space<hbm>> -> memref<20480x64xf32, #tpu.memory_space<hbm>>
    tpu.enqueue_indirect_dma source(%dma_start3A_28 : memref<20480x64xf32, #tpu.memory_space<hbm>>) target(%arg11 : memref<128x64xf32, #tpu.memory_space<vmem>>) offsets(%dma_start3A_25 : memref<128xi32, #tpu.memory_space<vmem>>) semaphore(%arg16 : memref<!tpu.dma_semaphore, #tpu.memory_space<semaphore_mem>>)
    %dma_start3A_29 = arith.constant 0 : i32
    %dma_start3A_30 = arith.constant 0 : i32
    %dma_start3A_31 = tpu.memref_slice %arg8[%dma_start3A_29, %dma_start3A_30] : memref<160x128xi32, #tpu.memory_space<vmem>> -> memref<1x128xi32, #tpu.memory_space<vmem>>
    %dma_start3A_32 = tpu.memref_squeeze %dma_start3A_31 : memref<1x128xi32, #tpu.memory_space<vmem>> -> memref<128xi32, #tpu.memory_space<vmem>>
    %dma_start3A_33 = arith.constant 0 : i32
    %dma_start3A_34 = arith.constant 0 : i32
    %dma_start3A_35 = tpu.memref_slice %arg13[%dma_start3A_33, %dma_start3A_34] : memref<10112x64xf32, #tpu.memory_space<vmem_shared>> -> memref<10112x64xf32, #tpu.memory_space<vmem_shared>>
    tpu.enqueue_indirect_dma source(%arg9 : memref<128x64xf32, #tpu.memory_space<vmem>>) target(%dma_start3A_35 : memref<10112x64xf32, #tpu.memory_space<vmem_shared>>) offsets(%dma_start3A_32 : memref<128xi32, #tpu.memory_space<vmem>>) semaphore(%arg14 : memref<!tpu.dma_semaphore, #tpu.memory_space<semaphore_mem>>) {add = true}
    %dma_wait3A_36 = arith.constant 1 : i32
    %dma_wait3A_37 = arith.constant 0 : i32
    %dma_wait3A_38 = tpu.memref_slice %arg7[%dma_wait3A_36, %dma_wait3A_37] : memref<160x128xi32, #tpu.memory_space<vmem>> -> memref<1x128xi32, #tpu.memory_space<vmem>>
    %dma_wait3A_39 = tpu.memref_squeeze %dma_wait3A_38 : memref<1x128xi32, #tpu.memory_space<vmem>> -> memref<128xi32, #tpu.memory_space<vmem>>
    %dma_wait3A_40 = arith.constant 0 : i32
    %dma_wait3A_41 = arith.constant 0 : i32
    %dma_wait3A_42 = tpu.memref_slice %arg2[%dma_wait3A_40, %dma_wait3A_41] : memref<20480x64xf32, #tpu.memory_space<hbm>> -> memref<20480x64xf32, #tpu.memory_space<hbm>>
    tpu.wait_indirect_dma semaphore(%arg15 : memref<!tpu.dma_semaphore, #tpu.memory_space<semaphore_mem>>) src(%dma_wait3A_42 : memref<20480x64xf32, #tpu.memory_space<hbm>>) dst(%arg10 : memref<128x64xf32, #tpu.memory_space<vmem>>)
    %dma_start3A_43 = arith.constant 3 : i32
    %dma_start3A_44 = arith.constant 0 : i32
    %dma_start3A_45 = tpu.memref_slice %arg7[%dma_start3A_43, %dma_start3A_44] : memref<160x128xi32, #tpu.memory_space<vmem>> -> memref<1x128xi32, #tpu.memory_space<vmem>>
    %dma_start3A_46 = tpu.memref_squeeze %dma_start3A_45 : memref<1x128xi32, #tpu.memory_space<vmem>> -> memref<128xi32, #tpu.memory_space<vmem>>
    %dma_start3A_47 = arith.constant 0 : i32
    %dma_start3A_48 = arith.constant 0 : i32
    %dma_start3A_49 = tpu.memref_slice %arg2[%dma_start3A_47, %dma_start3A_48] : memref<20480x64xf32, #tpu.memory_space<hbm>> -> memref<20480x64xf32, #tpu.memory_space<hbm>>
    tpu.enqueue_indirect_dma source(%dma_start3A_49 : memref<20480x64xf32, #tpu.memory_space<hbm>>) target(%arg12 : memref<128x64xf32, #tpu.memory_space<vmem>>) offsets(%dma_start3A_46 : memref<128xi32, #tpu.memory_space<vmem>>) semaphore(%arg17 : memref<!tpu.dma_semaphore, #tpu.memory_space<semaphore_mem>>)
    %dma_start3A_50 = arith.constant 1 : i32
    %dma_start3A_51 = arith.constant 0 : i32
    %dma_start3A_52 = tpu.memref_slice %arg8[%dma_start3A_50, %dma_start3A_51] : memref<160x128xi32, #tpu.memory_space<vmem>> -> memref<1x128xi32, #tpu.memory_space<vmem>>
    %dma_start3A_53 = tpu.memref_squeeze %dma_start3A_52 : memref<1x128xi32, #tpu.memory_space<vmem>> -> memref<128xi32, #tpu.memory_space<vmem>>
    %dma_start3A_54 = arith.constant 0 : i32
    %dma_start3A_55 = arith.constant 0 : i32
    %dma_start3A_56 = tpu.memref_slice %arg13[%dma_start3A_54, %dma_start3A_55] : memref<10112x64xf32, #tpu.memory_space<vmem_shared>> -> memref<10112x64xf32, #tpu.memory_space<vmem_shared>>
    tpu.enqueue_indirect_dma source(%arg10 : memref<128x64xf32, #tpu.memory_space<vmem>>) target(%dma_start3A_56 : memref<10112x64xf32, #tpu.memory_space<vmem_shared>>) offsets(%dma_start3A_53 : memref<128xi32, #tpu.memory_space<vmem>>) semaphore(%arg15 : memref<!tpu.dma_semaphore, #tpu.memory_space<semaphore_mem>>) {add = true}
    %scan3A = arith.constant 0 : i32
    %scan3A_57 = arith.constant 39 : i32
    %scan3A_58 = arith.addi %scan3A, %scan3A_57 : i32
    %scan3A_59 = arith.constant 1 : i32
    scf.for %scan3A_97 = %scan3A to %scan3A_58 step %scan3A_59  : i32 {
      %mul3A_98 = arith.constant 4 : i32
      %mul3A_99 = arith.muli %scan3A_97, %mul3A_98 : i32
      %add3A_100 = arith.constant 2 : i32
      %add3A_101 = arith.addi %add3A_100, %mul3A_99 : i32
      %add3A_102 = arith.constant 0 : i32
      %add3A_103 = arith.addi %add3A_101, %add3A_102 : i32
      %dma_wait3A_104 = arith.constant 0 : i32
      %dma_wait3A_105 = tpu.memref_slice %arg7[%add3A_103, %dma_wait3A_104] : memref<160x128xi32, #tpu.memory_space<vmem>> -> memref<1x128xi32, #tpu.memory_space<vmem>>
      %dma_wait3A_106 = tpu.memref_squeeze %dma_wait3A_105 : memref<1x128xi32, #tpu.memory_space<vmem>> -> memref<128xi32, #tpu.memory_space<vmem>>
      %dma_wait3A_107 = arith.constant 0 : i32
      %dma_wait3A_108 = arith.constant 0 : i32
      %dma_wait3A_109 = tpu.memref_slice %arg2[%dma_wait3A_107, %dma_wait3A_108] : memref<20480x64xf32, #tpu.memory_space<hbm>> -> memref<20480x64xf32, #tpu.memory_space<hbm>>
      tpu.wait_indirect_dma semaphore(%arg16 : memref<!tpu.dma_semaphore, #tpu.memory_space<semaphore_mem>>) src(%dma_wait3A_109 : memref<20480x64xf32, #tpu.memory_space<hbm>>) dst(%arg11 : memref<128x64xf32, #tpu.memory_space<vmem>>)
      %sub3A = arith.constant 2 : i32
      %sub3A_110 = arith.subi %add3A_103, %sub3A : i32
      %dma_wait3A_111 = arith.constant 0 : i32
      %dma_wait3A_112 = tpu.memref_slice %arg8[%sub3A_110, %dma_wait3A_111] : memref<160x128xi32, #tpu.memory_space<vmem>> -> memref<1x128xi32, #tpu.memory_space<vmem>>
      %dma_wait3A_113 = tpu.memref_squeeze %dma_wait3A_112 : memref<1x128xi32, #tpu.memory_space<vmem>> -> memref<128xi32, #tpu.memory_space<vmem>>
      %dma_wait3A_114 = arith.constant 0 : i32
      %dma_wait3A_115 = arith.constant 0 : i32
      %dma_wait3A_116 = tpu.memref_slice %arg13[%dma_wait3A_114, %dma_wait3A_115] : memref<10112x64xf32, #tpu.memory_space<vmem_shared>> -> memref<10112x64xf32, #tpu.memory_space<vmem_shared>>
      tpu.wait_indirect_dma semaphore(%arg14 : memref<!tpu.dma_semaphore, #tpu.memory_space<semaphore_mem>>) src(%arg9 : memref<128x64xf32, #tpu.memory_space<vmem>>) dst(%dma_wait3A_116 : memref<10112x64xf32, #tpu.memory_space<vmem_shared>>)
      %add3A_117 = arith.constant 2 : i32
      %add3A_118 = arith.addi %add3A_103, %add3A_117 : i32
      %dma_start3A_119 = arith.constant 0 : i32
      %dma_start3A_120 = tpu.memref_slice %arg7[%add3A_118, %dma_start3A_119] : memref<160x128xi32, #tpu.memory_space<vmem>> -> memref<1x128xi32, #tpu.memory_space<vmem>>
      %dma_start3A_121 = tpu.memref_squeeze %dma_start3A_120 : memref<1x128xi32, #tpu.memory_space<vmem>> -> memref<128xi32, #tpu.memory_space<vmem>>
      %dma_start3A_122 = arith.constant 0 : i32
      %dma_start3A_123 = arith.constant 0 : i32
      %dma_start3A_124 = tpu.memref_slice %arg2[%dma_start3A_122, %dma_start3A_123] : memref<20480x64xf32, #tpu.memory_space<hbm>> -> memref<20480x64xf32, #tpu.memory_space<hbm>>
      tpu.enqueue_indirect_dma source(%dma_start3A_124 : memref<20480x64xf32, #tpu.memory_space<hbm>>) target(%arg9 : memref<128x64xf32, #tpu.memory_space<vmem>>) offsets(%dma_start3A_121 : memref<128xi32, #tpu.memory_space<vmem>>) semaphore(%arg14 : memref<!tpu.dma_semaphore, #tpu.memory_space<semaphore_mem>>)
      %dma_start3A_125 = arith.constant 0 : i32
      %dma_start3A_126 = tpu.memref_slice %arg8[%add3A_103, %dma_start3A_125] : memref<160x128xi32, #tpu.memory_space<vmem>> -> memref<1x128xi32, #tpu.memory_space<vmem>>
      %dma_start3A_127 = tpu.memref_squeeze %dma_start3A_126 : memref<1x128xi32, #tpu.memory_space<vmem>> -> memref<128xi32, #tpu.memory_space<vmem>>
      %dma_start3A_128 = arith.constant 0 : i32
      %dma_start3A_129 = arith.constant 0 : i32
      %dma_start3A_130 = tpu.memref_slice %arg13[%dma_start3A_128, %dma_start3A_129] : memref<10112x64xf32, #tpu.memory_space<vmem_shared>> -> memref<10112x64xf32, #tpu.memory_space<vmem_shared>>
      tpu.enqueue_indirect_dma source(%arg11 : memref<128x64xf32, #tpu.memory_space<vmem>>) target(%dma_start3A_130 : memref<10112x64xf32, #tpu.memory_space<vmem_shared>>) offsets(%dma_start3A_127 : memref<128xi32, #tpu.memory_space<vmem>>) semaphore(%arg16 : memref<!tpu.dma_semaphore, #tpu.memory_space<semaphore_mem>>) {add = true}
      %add3A_131 = arith.constant 1 : i32
      %add3A_132 = arith.addi %add3A_101, %add3A_131 : i32
      %dma_wait3A_133 = arith.constant 0 : i32
      %dma_wait3A_134 = tpu.memref_slice %arg7[%add3A_132, %dma_wait3A_133] : memref<160x128xi32, #tpu.memory_space<vmem>> -> memref<1x128xi32, #tpu.memory_space<vmem>>
      %dma_wait3A_135 = tpu.memref_squeeze %dma_wait3A_134 : memref<1x128xi32, #tpu.memory_space<vmem>> -> memref<128xi32, #tpu.memory_space<vmem>>
      %dma_wait3A_136 = arith.constant 0 : i32
      %dma_wait3A_137 = arith.constant 0 : i32
      %dma_wait3A_138 = tpu.memref_slice %arg2[%dma_wait3A_136, %dma_wait3A_137] : memref<20480x64xf32, #tpu.memory_space<hbm>> -> memref<20480x64xf32, #tpu.memory_space<hbm>>
      tpu.wait_indirect_dma semaphore(%arg17 : memref<!tpu.dma_semaphore, #tpu.memory_space<semaphore_mem>>) src(%dma_wait3A_138 : memref<20480x64xf32, #tpu.memory_space<hbm>>) dst(%arg12 : memref<128x64xf32, #tpu.memory_space<vmem>>)
      %sub3A_139 = arith.constant 2 : i32
      %sub3A_140 = arith.subi %add3A_132, %sub3A_139 : i32
      %dma_wait3A_141 = arith.constant 0 : i32
      %dma_wait3A_142 = tpu.memref_slice %arg8[%sub3A_140, %dma_wait3A_141] : memref<160x128xi32, #tpu.memory_space<vmem>> -> memref<1x128xi32, #tpu.memory_space<vmem>>
      %dma_wait3A_143 = tpu.memref_squeeze %dma_wait3A_142 : memref<1x128xi32, #tpu.memory_space<vmem>> -> memref<128xi32, #tpu.memory_space<vmem>>
      %dma_wait3A_144 = arith.constant 0 : i32
      %dma_wait3A_145 = arith.constant 0 : i32
      %dma_wait3A_146 = tpu.memref_slice %arg13[%dma_wait3A_144, %dma_wait3A_145] : memref<10112x64xf32, #tpu.memory_space<vmem_shared>> -> memref<10112x64xf32, #tpu.memory_space<vmem_shared>>
      tpu.wait_indirect_dma semaphore(%arg15 : memref<!tpu.dma_semaphore, #tpu.memory_space<semaphore_mem>>) src(%arg10 : memref<128x64xf32, #tpu.memory_space<vmem>>) dst(%dma_wait3A_146 : memref<10112x64xf32, #tpu.memory_space<vmem_shared>>)
      %add3A_147 = arith.constant 2 : i32
      %add3A_148 = arith.addi %add3A_132, %add3A_147 : i32
      %dma_start3A_149 = arith.constant 0 : i32
      %dma_start3A_150 = tpu.memref_slice %arg7[%add3A_148, %dma_start3A_149] : memref<160x128xi32, #tpu.memory_space<vmem>> -> memref<1x128xi32, #tpu.memory_space<vmem>>
      %dma_start3A_151 = tpu.memref_squeeze %dma_start3A_150 : memref<1x128xi32, #tpu.memory_space<vmem>> -> memref<128xi32, #tpu.memory_space<vmem>>
      %dma_start3A_152 = arith.constant 0 : i32
      %dma_start3A_153 = arith.constant 0 : i32
      %dma_start3A_154 = tpu.memref_slice %arg2[%dma_start3A_152, %dma_start3A_153] : memref<20480x64xf32, #tpu.memory_space<hbm>> -> memref<20480x64xf32, #tpu.memory_space<hbm>>
      tpu.enqueue_indirect_dma source(%dma_start3A_154 : memref<20480x64xf32, #tpu.memory_space<hbm>>) target(%arg10 : memref<128x64xf32, #tpu.memory_space<vmem>>) offsets(%dma_start3A_151 : memref<128xi32, #tpu.memory_space<vmem>>) semaphore(%arg15 : memref<!tpu.dma_semaphore, #tpu.memory_space<semaphore_mem>>)
      %dma_start3A_155 = arith.constant 0 : i32
      %dma_start3A_156 = tpu.memref_slice %arg8[%add3A_132, %dma_start3A_155] : memref<160x128xi32, #tpu.memory_space<vmem>> -> memref<1x128xi32, #tpu.memory_space<vmem>>
      %dma_start3A_157 = tpu.memref_squeeze %dma_start3A_156 : memref<1x128xi32, #tpu.memory_space<vmem>> -> memref<128xi32, #tpu.memory_space<vmem>>
      %dma_start3A_158 = arith.constant 0 : i32
      %dma_start3A_159 = arith.constant 0 : i32
      %dma_start3A_160 = tpu.memref_slice %arg13[%dma_start3A_158, %dma_start3A_159] : memref<10112x64xf32, #tpu.memory_space<vmem_shared>> -> memref<10112x64xf32, #tpu.memory_space<vmem_shared>>
      tpu.enqueue_indirect_dma source(%arg12 : memref<128x64xf32, #tpu.memory_space<vmem>>) target(%dma_start3A_160 : memref<10112x64xf32, #tpu.memory_space<vmem_shared>>) offsets(%dma_start3A_157 : memref<128xi32, #tpu.memory_space<vmem>>) semaphore(%arg17 : memref<!tpu.dma_semaphore, #tpu.memory_space<semaphore_mem>>) {add = true}
      %add3A_161 = arith.constant 2 : i32
      %add3A_162 = arith.addi %add3A_101, %add3A_161 : i32
      %dma_wait3A_163 = arith.constant 0 : i32
      %dma_wait3A_164 = tpu.memref_slice %arg7[%add3A_162, %dma_wait3A_163] : memref<160x128xi32, #tpu.memory_space<vmem>> -> memref<1x128xi32, #tpu.memory_space<vmem>>
      %dma_wait3A_165 = tpu.memref_squeeze %dma_wait3A_164 : memref<1x128xi32, #tpu.memory_space<vmem>> -> memref<128xi32, #tpu.memory_space<vmem>>
      %dma_wait3A_166 = arith.constant 0 : i32
      %dma_wait3A_167 = arith.constant 0 : i32
      %dma_wait3A_168 = tpu.memref_slice %arg2[%dma_wait3A_166, %dma_wait3A_167] : memref<20480x64xf32, #tpu.memory_space<hbm>> -> memref<20480x64xf32, #tpu.memory_space<hbm>>
      tpu.wait_indirect_dma semaphore(%arg14 : memref<!tpu.dma_semaphore, #tpu.memory_space<semaphore_mem>>) src(%dma_wait3A_168 : memref<20480x64xf32, #tpu.memory_space<hbm>>) dst(%arg9 : memref<128x64xf32, #tpu.memory_space<vmem>>)
      %sub3A_169 = arith.constant 2 : i32
      %sub3A_170 = arith.subi %add3A_162, %sub3A_169 : i32
      %dma_wait3A_171 = arith.constant 0 : i32
      %dma_wait3A_172 = tpu.memref_slice %arg8[%sub3A_170, %dma_wait3A_171] : memref<160x128xi32, #tpu.memory_space<vmem>> -> memref<1x128xi32, #tpu.memory_space<vmem>>
      %dma_wait3A_173 = tpu.memref_squeeze %dma_wait3A_172 : memref<1x128xi32, #tpu.memory_space<vmem>> -> memref<128xi32, #tpu.memory_space<vmem>>
      %dma_wait3A_174 = arith.constant 0 : i32
      %dma_wait3A_175 = arith.constant 0 : i32
      %dma_wait3A_176 = tpu.memref_slice %arg13[%dma_wait3A_174, %dma_wait3A_175] : memref<10112x64xf32, #tpu.memory_space<vmem_shared>> -> memref<10112x64xf32, #tpu.memory_space<vmem_shared>>
      tpu.wait_indirect_dma semaphore(%arg16 : memref<!tpu.dma_semaphore, #tpu.memory_space<semaphore_mem>>) src(%arg11 : memref<128x64xf32, #tpu.memory_space<vmem>>) dst(%dma_wait3A_176 : memref<10112x64xf32, #tpu.memory_space<vmem_shared>>)
      %add3A_177 = arith.constant 2 : i32
      %add3A_178 = arith.addi %add3A_162, %add3A_177 : i32
      %dma_start3A_179 = arith.constant 0 : i32
      %dma_start3A_180 = tpu.memref_slice %arg7[%add3A_178, %dma_start3A_179] : memref<160x128xi32, #tpu.memory_space<vmem>> -> memref<1x128xi32, #tpu.memory_space<vmem>>
      %dma_start3A_181 = tpu.memref_squeeze %dma_start3A_180 : memref<1x128xi32, #tpu.memory_space<vmem>> -> memref<128xi32, #tpu.memory_space<vmem>>
      %dma_start3A_182 = arith.constant 0 : i32
      %dma_start3A_183 = arith.constant 0 : i32
      %dma_start3A_184 = tpu.memref_slice %arg2[%dma_start3A_182, %dma_start3A_183] : memref<20480x64xf32, #tpu.memory_space<hbm>> -> memref<20480x64xf32, #tpu.memory_space<hbm>>
      tpu.enqueue_indirect_dma source(%dma_start3A_184 : memref<20480x64xf32, #tpu.memory_space<hbm>>) target(%arg11 : memref<128x64xf32, #tpu.memory_space<vmem>>) offsets(%dma_start3A_181 : memref<128xi32, #tpu.memory_space<vmem>>) semaphore(%arg16 : memref<!tpu.dma_semaphore, #tpu.memory_space<semaphore_mem>>)
      %dma_start3A_185 = arith.constant 0 : i32
      %dma_start3A_186 = tpu.memref_slice %arg8[%add3A_162, %dma_start3A_185] : memref<160x128xi32, #tpu.memory_space<vmem>> -> memref<1x128xi32, #tpu.memory_space<vmem>>
      %dma_start3A_187 = tpu.memref_squeeze %dma_start3A_186 : memref<1x128xi32, #tpu.memory_space<vmem>> -> memref<128xi32, #tpu.memory_space<vmem>>
      %dma_start3A_188 = arith.constant 0 : i32
      %dma_start3A_189 = arith.constant 0 : i32
      %dma_start3A_190 = tpu.memref_slice %arg13[%dma_start3A_188, %dma_start3A_189] : memref<10112x64xf32, #tpu.memory_space<vmem_shared>> -> memref<10112x64xf32, #tpu.memory_space<vmem_shared>>
      tpu.enqueue_indirect_dma source(%arg9 : memref<128x64xf32, #tpu.memory_space<vmem>>) target(%dma_start3A_190 : memref<10112x64xf32, #tpu.memory_space<vmem_shared>>) offsets(%dma_start3A_187 : memref<128xi32, #tpu.memory_space<vmem>>) semaphore(%arg14 : memref<!tpu.dma_semaphore, #tpu.memory_space<semaphore_mem>>) {add = true}
      %add3A_191 = arith.constant 3 : i32
      %add3A_192 = arith.addi %add3A_101, %add3A_191 : i32
      %dma_wait3A_193 = arith.constant 0 : i32
      %dma_wait3A_194 = tpu.memref_slice %arg7[%add3A_192, %dma_wait3A_193] : memref<160x128xi32, #tpu.memory_space<vmem>> -> memref<1x128xi32, #tpu.memory_space<vmem>>
      %dma_wait3A_195 = tpu.memref_squeeze %dma_wait3A_194 : memref<1x128xi32, #tpu.memory_space<vmem>> -> memref<128xi32, #tpu.memory_space<vmem>>
      %dma_wait3A_196 = arith.constant 0 : i32
      %dma_wait3A_197 = arith.constant 0 : i32
      %dma_wait3A_198 = tpu.memref_slice %arg2[%dma_wait3A_196, %dma_wait3A_197] : memref<20480x64xf32, #tpu.memory_space<hbm>> -> memref<20480x64xf32, #tpu.memory_space<hbm>>
      tpu.wait_indirect_dma semaphore(%arg15 : memref<!tpu.dma_semaphore, #tpu.memory_space<semaphore_mem>>) src(%dma_wait3A_198 : memref<20480x64xf32, #tpu.memory_space<hbm>>) dst(%arg10 : memref<128x64xf32, #tpu.memory_space<vmem>>)
      %sub3A_199 = arith.constant 2 : i32
      %sub3A_200 = arith.subi %add3A_192, %sub3A_199 : i32
      %dma_wait3A_201 = arith.constant 0 : i32
      %dma_wait3A_202 = tpu.memref_slice %arg8[%sub3A_200, %dma_wait3A_201] : memref<160x128xi32, #tpu.memory_space<vmem>> -> memref<1x128xi32, #tpu.memory_space<vmem>>
      %dma_wait3A_203 = tpu.memref_squeeze %dma_wait3A_202 : memref<1x128xi32, #tpu.memory_space<vmem>> -> memref<128xi32, #tpu.memory_space<vmem>>
      %dma_wait3A_204 = arith.constant 0 : i32
      %dma_wait3A_205 = arith.constant 0 : i32
      %dma_wait3A_206 = tpu.memref_slice %arg13[%dma_wait3A_204, %dma_wait3A_205] : memref<10112x64xf32, #tpu.memory_space<vmem_shared>> -> memref<10112x64xf32, #tpu.memory_space<vmem_shared>>
      tpu.wait_indirect_dma semaphore(%arg17 : memref<!tpu.dma_semaphore, #tpu.memory_space<semaphore_mem>>) src(%arg12 : memref<128x64xf32, #tpu.memory_space<vmem>>) dst(%dma_wait3A_206 : memref<10112x64xf32, #tpu.memory_space<vmem_shared>>)
      %add3A_207 = arith.constant 2 : i32
      %add3A_208 = arith.addi %add3A_192, %add3A_207 : i32
      %dma_start3A_209 = arith.constant 0 : i32
      %dma_start3A_210 = tpu.memref_slice %arg7[%add3A_208, %dma_start3A_209] : memref<160x128xi32, #tpu.memory_space<vmem>> -> memref<1x128xi32, #tpu.memory_space<vmem>>
      %dma_start3A_211 = tpu.memref_squeeze %dma_start3A_210 : memref<1x128xi32, #tpu.memory_space<vmem>> -> memref<128xi32, #tpu.memory_space<vmem>>
      %dma_start3A_212 = arith.constant 0 : i32
      %dma_start3A_213 = arith.constant 0 : i32
      %dma_start3A_214 = tpu.memref_slice %arg2[%dma_start3A_212, %dma_start3A_213] : memref<20480x64xf32, #tpu.memory_space<hbm>> -> memref<20480x64xf32, #tpu.memory_space<hbm>>
      tpu.enqueue_indirect_dma source(%dma_start3A_214 : memref<20480x64xf32, #tpu.memory_space<hbm>>) target(%arg12 : memref<128x64xf32, #tpu.memory_space<vmem>>) offsets(%dma_start3A_211 : memref<128xi32, #tpu.memory_space<vmem>>) semaphore(%arg17 : memref<!tpu.dma_semaphore, #tpu.memory_space<semaphore_mem>>)
      %dma_start3A_215 = arith.constant 0 : i32
      %dma_start3A_216 = tpu.memref_slice %arg8[%add3A_192, %dma_start3A_215] : memref<160x128xi32, #tpu.memory_space<vmem>> -> memref<1x128xi32, #tpu.memory_space<vmem>>
      %dma_start3A_217 = tpu.memref_squeeze %dma_start3A_216 : memref<1x128xi32, #tpu.memory_space<vmem>> -> memref<128xi32, #tpu.memory_space<vmem>>
      %dma_start3A_218 = arith.constant 0 : i32
      %dma_start3A_219 = arith.constant 0 : i32
      %dma_start3A_220 = tpu.memref_slice %arg13[%dma_start3A_218, %dma_start3A_219] : memref<10112x64xf32, #tpu.memory_space<vmem_shared>> -> memref<10112x64xf32, #tpu.memory_space<vmem_shared>>
      tpu.enqueue_indirect_dma source(%arg10 : memref<128x64xf32, #tpu.memory_space<vmem>>) target(%dma_start3A_220 : memref<10112x64xf32, #tpu.memory_space<vmem_shared>>) offsets(%dma_start3A_217 : memref<128xi32, #tpu.memory_space<vmem>>) semaphore(%arg15 : memref<!tpu.dma_semaphore, #tpu.memory_space<semaphore_mem>>) {add = true}
    }
    %scan3A_60 = arith.constant 39 : i32
    %dma_wait3A_61 = arith.constant 156 : i32
    %dma_wait3A_62 = arith.constant 0 : i32
    %dma_wait3A_63 = tpu.memref_slice %arg8[%dma_wait3A_61, %dma_wait3A_62] : memref<160x128xi32, #tpu.memory_space<vmem>> -> memref<1x128xi32, #tpu.memory_space<vmem>>
    %dma_wait3A_64 = tpu.memref_squeeze %dma_wait3A_63 : memref<1x128xi32, #tpu.memory_space<vmem>> -> memref<128xi32, #tpu.memory_space<vmem>>
    %dma_wait3A_65 = arith.constant 0 : i32
    %dma_wait3A_66 = arith.constant 0 : i32
    %dma_wait3A_67 = tpu.memref_slice %arg13[%dma_wait3A_65, %dma_wait3A_66] : memref<10112x64xf32, #tpu.memory_space<vmem_shared>> -> memref<10112x64xf32, #tpu.memory_space<vmem_shared>>
    tpu.wait_indirect_dma semaphore(%arg14 : memref<!tpu.dma_semaphore, #tpu.memory_space<semaphore_mem>>) src(%arg9 : memref<128x64xf32, #tpu.memory_space<vmem>>) dst(%dma_wait3A_67 : memref<10112x64xf32, #tpu.memory_space<vmem_shared>>)
    %dma_wait3A_68 = arith.constant 157 : i32
    %dma_wait3A_69 = arith.constant 0 : i32
    %dma_wait3A_70 = tpu.memref_slice %arg8[%dma_wait3A_68, %dma_wait3A_69] : memref<160x128xi32, #tpu.memory_space<vmem>> -> memref<1x128xi32, #tpu.memory_space<vmem>>
    %dma_wait3A_71 = tpu.memref_squeeze %dma_wait3A_70 : memref<1x128xi32, #tpu.memory_space<vmem>> -> memref<128xi32, #tpu.memory_space<vmem>>
    %dma_wait3A_72 = arith.constant 0 : i32
    %dma_wait3A_73 = arith.constant 0 : i32
    %dma_wait3A_74 = tpu.memref_slice %arg13[%dma_wait3A_72, %dma_wait3A_73] : memref<10112x64xf32, #tpu.memory_space<vmem_shared>> -> memref<10112x64xf32, #tpu.memory_space<vmem_shared>>
    tpu.wait_indirect_dma semaphore(%arg15 : memref<!tpu.dma_semaphore, #tpu.memory_space<semaphore_mem>>) src(%arg10 : memref<128x64xf32, #tpu.memory_space<vmem>>) dst(%dma_wait3A_74 : memref<10112x64xf32, #tpu.memory_space<vmem_shared>>)
    %dma_wait3A_75 = arith.constant 158 : i32
    %dma_wait3A_76 = arith.constant 0 : i32
    %dma_wait3A_77 = tpu.memref_slice %arg7[%dma_wait3A_75, %dma_wait3A_76] : memref<160x128xi32, #tpu.memory_space<vmem>> -> memref<1x128xi32, #tpu.memory_space<vmem>>
    %dma_wait3A_78 = tpu.memref_squeeze %dma_wait3A_77 : memref<1x128xi32, #tpu.memory_space<vmem>> -> memref<128xi32, #tpu.memory_space<vmem>>
    %dma_wait3A_79 = arith.constant 0 : i32
    %dma_wait3A_80 = arith.constant 0 : i32
    %dma_wait3A_81 = tpu.memref_slice %arg2[%dma_wait3A_79, %dma_wait3A_80] : memref<20480x64xf32, #tpu.memory_space<hbm>> -> memref<20480x64xf32, #tpu.memory_space<hbm>>
    tpu.wait_indirect_dma semaphore(%arg16 : memref<!tpu.dma_semaphore, #tpu.memory_space<semaphore_mem>>) src(%dma_wait3A_81 : memref<20480x64xf32, #tpu.memory_space<hbm>>) dst(%arg11 : memref<128x64xf32, #tpu.memory_space<vmem>>)
    %dma_wait3A_82 = arith.constant 159 : i32
    %dma_wait3A_83 = arith.constant 0 : i32
    %dma_wait3A_84 = tpu.memref_slice %arg7[%dma_wait3A_82, %dma_wait3A_83] : memref<160x128xi32, #tpu.memory_space<vmem>> -> memref<1x128xi32, #tpu.memory_space<vmem>>
    %dma_wait3A_85 = tpu.memref_squeeze %dma_wait3A_84 : memref<1x128xi32, #tpu.memory_space<vmem>> -> memref<128xi32, #tpu.memory_space<vmem>>
    %dma_wait3A_86 = arith.constant 0 : i32
    %dma_wait3A_87 = arith.constant 0 : i32
    %dma_wait3A_88 = tpu.memref_slice %arg2[%dma_wait3A_86, %dma_wait3A_87] : memref<20480x64xf32, #tpu.memory_space<hbm>> -> memref<20480x64xf32, #tpu.memory_space<hbm>>
    tpu.wait_indirect_dma semaphore(%arg17 : memref<!tpu.dma_semaphore, #tpu.memory_space<semaphore_mem>>) src(%dma_wait3A_88 : memref<20480x64xf32, #tpu.memory_space<hbm>>) dst(%arg12 : memref<128x64xf32, #tpu.memory_space<vmem>>)
    %barrier3A_89 = arith.constant 0 : index
    tpu.barrier barrier_id(%barrier3A_89)
    %mul3A_90 = arith.constant 632 : i32
    %mul3A_91 = arith.muli %arg1, %mul3A_90 : i32
    %mul3A_92 = arith.constant 10112 : i32
    %mul3A_93 = arith.muli %arg0, %mul3A_92 : i32
    %mul3A_94 = arith.constant 632 : i32
    %mul3A_95 = arith.muli %arg1, %mul3A_94 : i32
    %add3A_96 = arith.addi %mul3A_93, %mul3A_95 : i32
    "tpu.region"() ({
      %run_scoped3A = tpu.sem_alloc : memref<!tpu.dma_semaphore, #tpu.memory_space<semaphore_mem>>
      %dma_start3A_97 = arith.constant 0 : i32
      %dma_start3A_98 = tpu.memref_slice %arg6[%add3A_96, %dma_start3A_97] : memref<20224x64xf32, #tpu.memory_space<hbm>> -> memref<632x64xf32, #tpu.memory_space<hbm>>
      %dma_start3A_99 = arith.constant 0 : i32
      %dma_start3A_100 = tpu.memref_slice %arg13[%mul3A_91, %dma_start3A_99] : memref<10112x64xf32, #tpu.memory_space<vmem_shared>> -> memref<632x64xf32, #tpu.memory_space<vmem_shared>>
      tpu.enqueue_dma source(%dma_start3A_100 : memref<632x64xf32, #tpu.memory_space<vmem_shared>>) target(%dma_start3A_98 : memref<632x64xf32, #tpu.memory_space<hbm>>) target_semaphore(%run_scoped3A : memref<!tpu.dma_semaphore, #tpu.memory_space<semaphore_mem>>)
      %dma_wait3A_101 = arith.constant 0 : i32
      %dma_wait3A_102 = tpu.memref_slice %arg6[%add3A_96, %dma_wait3A_101] : memref<20224x64xf32, #tpu.memory_space<hbm>> -> memref<632x64xf32, #tpu.memory_space<hbm>>
      %dma_wait3A_103 = arith.constant 0 : i32
      %dma_wait3A_104 = tpu.memref_slice %arg13[%mul3A_91, %dma_wait3A_103] : memref<10112x64xf32, #tpu.memory_space<vmem_shared>> -> memref<632x64xf32, #tpu.memory_space<vmem_shared>>
      tpu.wait_dma2 semaphore(%run_scoped3A : memref<!tpu.dma_semaphore, #tpu.memory_space<semaphore_mem>>) src(%dma_wait3A_104 : memref<632x64xf32, #tpu.memory_space<vmem_shared>>) dst(%dma_wait3A_102 : memref<632x64xf32, #tpu.memory_space<hbm>>)
      tpu.yield
    }) : () -> ()
    return
  }
}

#map = affine_map<(d0, d1) -> (0, 0)>
#map1 = affine_map<(d0, d1) -> (0, 0, 0)>
module attributes {stable_mosaic.version = 14 : i64} {
  func.func @_agg_kernel(%arg0: i32, %arg1: i32, %arg2: memref<20480x64xf32, #tpu.memory_space<hbm>>, %arg3: memref<32x160x128xi32, #tpu.memory_space<hbm>>, %arg4: memref<16x160x128xi32, #tpu.memory_space<hbm>>, %arg5: memref<632x64xf32, #tpu.memory_space<hbm>>, %arg6: memref<20224x64xf32, #tpu.memory_space<hbm>>, %arg7: memref<160x128xi32, #tpu.memory_space<vmem>>, %arg8: memref<160x128xi32, #tpu.memory_space<vmem>>, %arg9: memref<128x64xf32, #tpu.memory_space<vmem>>, %arg10: memref<128x64xf32, #tpu.memory_space<vmem>>, %arg11: memref<128x64xf32, #tpu.memory_space<vmem>>, %arg12: memref<128x64xf32, #tpu.memory_space<vmem>>, %arg13: memref<10112x64xf32, #tpu.memory_space<vmem_shared>>, %arg14: memref<!tpu.dma_semaphore, #tpu.memory_space<semaphore_mem>>, %arg15: memref<!tpu.dma_semaphore, #tpu.memory_space<semaphore_mem>>, %arg16: memref<!tpu.dma_semaphore, #tpu.memory_space<semaphore_mem>>, %arg17: memref<!tpu.dma_semaphore, #tpu.memory_space<semaphore_mem>>) attributes {dimension_semantics = [#tpu.dimension_semantics<core_parallel>, #tpu.dimension_semantics<subcore_parallel>], iteration_bounds = array<i64: 2, 16>, scalar_prefetch = 0 : i64, scratch_operands = 11 : i64, tpu.core_type = #tpu.core_type<sc_vector_subcore>, window_params = [{transform_indices = #map}, {transform_indices = #map1}, {transform_indices = #map1}, {transform_indices = #map}, {transform_indices = #map}]} {
    "tpu.region"() ({
      %run_scoped3A = tpu.sem_alloc : memref<!tpu.dma_semaphore, #tpu.memory_space<semaphore_mem>>
      %dma_start3A_97 = arith.constant 0 : i32
      %dma_start3A_98 = arith.constant 0 : i32
      %dma_start3A_99 = tpu.memref_slice %arg4[%arg1, %dma_start3A_97, %dma_start3A_98] : memref<16x160x128xi32, #tpu.memory_space<hbm>> -> memref<1x160x128xi32, #tpu.memory_space<hbm>>
      %dma_start3A_100 = tpu.memref_squeeze %dma_start3A_99 : memref<1x160x128xi32, #tpu.memory_space<hbm>> -> memref<160x128xi32, #tpu.memory_space<hbm>>
      %dma_start3A_101 = arith.constant 0 : i32
      %dma_start3A_102 = arith.constant 0 : i32
      %dma_start3A_103 = tpu.memref_slice %arg4[%arg1, %dma_start3A_101, %dma_start3A_102] : memref<16x160x128xi32, #tpu.memory_space<hbm>> -> memref<1x160x128xi32, #tpu.memory_space<hbm>>
      %dma_start3A_104 = tpu.memref_squeeze %dma_start3A_103 : memref<1x160x128xi32, #tpu.memory_space<hbm>> -> memref<160x128xi32, #tpu.memory_space<hbm>>
      tpu.enqueue_dma source(%dma_start3A_104 : memref<160x128xi32, #tpu.memory_space<hbm>>) target(%arg8 : memref<160x128xi32, #tpu.memory_space<vmem>>) target_semaphore(%run_scoped3A : memref<!tpu.dma_semaphore, #tpu.memory_space<semaphore_mem>>)
      %dma_wait3A_105 = arith.constant 0 : i32
      %dma_wait3A_106 = arith.constant 0 : i32
      %dma_wait3A_107 = tpu.memref_slice %arg4[%arg1, %dma_wait3A_105, %dma_wait3A_106] : memref<16x160x128xi32, #tpu.memory_space<hbm>> -> memref<1x160x128xi32, #tpu.memory_space<hbm>>
      %dma_wait3A_108 = tpu.memref_squeeze %dma_wait3A_107 : memref<1x160x128xi32, #tpu.memory_space<hbm>> -> memref<160x128xi32, #tpu.memory_space<hbm>>
      %dma_wait3A_109 = arith.constant 0 : i32
      %dma_wait3A_110 = arith.constant 0 : i32
      %dma_wait3A_111 = tpu.memref_slice %arg4[%arg1, %dma_wait3A_109, %dma_wait3A_110] : memref<16x160x128xi32, #tpu.memory_space<hbm>> -> memref<1x160x128xi32, #tpu.memory_space<hbm>>
      %dma_wait3A_112 = tpu.memref_squeeze %dma_wait3A_111 : memref<1x160x128xi32, #tpu.memory_space<hbm>> -> memref<160x128xi32, #tpu.memory_space<hbm>>
      tpu.wait_dma2 semaphore(%run_scoped3A : memref<!tpu.dma_semaphore, #tpu.memory_space<semaphore_mem>>) src(%dma_wait3A_112 : memref<160x128xi32, #tpu.memory_space<hbm>>) dst(%arg8 : memref<160x128xi32, #tpu.memory_space<vmem>>)
      tpu.yield
    }) : () -> ()
    %mul3A = arith.constant 632 : i32
    %mul3A_0 = arith.muli %arg1, %mul3A : i32
    "tpu.region"() ({
      %run_scoped3A = tpu.sem_alloc : memref<!tpu.dma_semaphore, #tpu.memory_space<semaphore_mem>>
      %dma_start3A_97 = arith.constant 0 : i32
      %dma_start3A_98 = tpu.memref_slice %arg13[%mul3A_0, %dma_start3A_97] : memref<10112x64xf32, #tpu.memory_space<vmem_shared>> -> memref<632x64xf32, #tpu.memory_space<vmem_shared>>
      tpu.enqueue_dma source(%arg5 : memref<632x64xf32, #tpu.memory_space<hbm>>) target(%dma_start3A_98 : memref<632x64xf32, #tpu.memory_space<vmem_shared>>) target_semaphore(%run_scoped3A : memref<!tpu.dma_semaphore, #tpu.memory_space<semaphore_mem>>)
      %dma_wait3A_99 = arith.constant 0 : i32
      %dma_wait3A_100 = tpu.memref_slice %arg13[%mul3A_0, %dma_wait3A_99] : memref<10112x64xf32, #tpu.memory_space<vmem_shared>> -> memref<632x64xf32, #tpu.memory_space<vmem_shared>>
      tpu.wait_dma2 semaphore(%run_scoped3A : memref<!tpu.dma_semaphore, #tpu.memory_space<semaphore_mem>>) src(%arg5 : memref<632x64xf32, #tpu.memory_space<hbm>>) dst(%dma_wait3A_100 : memref<632x64xf32, #tpu.memory_space<vmem_shared>>)
      tpu.yield
    }) : () -> ()
    %mul3A_1 = arith.constant 16 : i32
    %mul3A_2 = arith.muli %arg0, %mul3A_1 : i32
    %add3A = arith.addi %mul3A_2, %arg1 : i32
    "tpu.region"() ({
      %run_scoped3A = tpu.sem_alloc : memref<!tpu.dma_semaphore, #tpu.memory_space<semaphore_mem>>
      %dma_start3A_97 = arith.constant 0 : i32
      %dma_start3A_98 = arith.constant 0 : i32
      %dma_start3A_99 = tpu.memref_slice %arg3[%add3A, %dma_start3A_97, %dma_start3A_98] : memref<32x160x128xi32, #tpu.memory_space<hbm>> -> memref<1x160x128xi32, #tpu.memory_space<hbm>>
      %dma_start3A_100 = tpu.memref_squeeze %dma_start3A_99 : memref<1x160x128xi32, #tpu.memory_space<hbm>> -> memref<160x128xi32, #tpu.memory_space<hbm>>
      %dma_start3A_101 = arith.constant 0 : i32
      %dma_start3A_102 = arith.constant 0 : i32
      %dma_start3A_103 = tpu.memref_slice %arg3[%add3A, %dma_start3A_101, %dma_start3A_102] : memref<32x160x128xi32, #tpu.memory_space<hbm>> -> memref<1x160x128xi32, #tpu.memory_space<hbm>>
      %dma_start3A_104 = tpu.memref_squeeze %dma_start3A_103 : memref<1x160x128xi32, #tpu.memory_space<hbm>> -> memref<160x128xi32, #tpu.memory_space<hbm>>
      tpu.enqueue_dma source(%dma_start3A_104 : memref<160x128xi32, #tpu.memory_space<hbm>>) target(%arg7 : memref<160x128xi32, #tpu.memory_space<vmem>>) target_semaphore(%run_scoped3A : memref<!tpu.dma_semaphore, #tpu.memory_space<semaphore_mem>>)
      %dma_wait3A_105 = arith.constant 0 : i32
      %dma_wait3A_106 = arith.constant 0 : i32
      %dma_wait3A_107 = tpu.memref_slice %arg3[%add3A, %dma_wait3A_105, %dma_wait3A_106] : memref<32x160x128xi32, #tpu.memory_space<hbm>> -> memref<1x160x128xi32, #tpu.memory_space<hbm>>
      %dma_wait3A_108 = tpu.memref_squeeze %dma_wait3A_107 : memref<1x160x128xi32, #tpu.memory_space<hbm>> -> memref<160x128xi32, #tpu.memory_space<hbm>>
      %dma_wait3A_109 = arith.constant 0 : i32
      %dma_wait3A_110 = arith.constant 0 : i32
      %dma_wait3A_111 = tpu.memref_slice %arg3[%add3A, %dma_wait3A_109, %dma_wait3A_110] : memref<32x160x128xi32, #tpu.memory_space<hbm>> -> memref<1x160x128xi32, #tpu.memory_space<hbm>>
      %dma_wait3A_112 = tpu.memref_squeeze %dma_wait3A_111 : memref<1x160x128xi32, #tpu.memory_space<hbm>> -> memref<160x128xi32, #tpu.memory_space<hbm>>
      tpu.wait_dma2 semaphore(%run_scoped3A : memref<!tpu.dma_semaphore, #tpu.memory_space<semaphore_mem>>) src(%dma_wait3A_112 : memref<160x128xi32, #tpu.memory_space<hbm>>) dst(%arg7 : memref<160x128xi32, #tpu.memory_space<vmem>>)
      tpu.yield
    }) : () -> ()
    %barrier3A = arith.constant 0 : index
    tpu.barrier barrier_id(%barrier3A)
    %dma_start3A = arith.constant 0 : i32
    %dma_start3A_3 = arith.constant 0 : i32
    %dma_start3A_4 = tpu.memref_slice %arg7[%dma_start3A, %dma_start3A_3] : memref<160x128xi32, #tpu.memory_space<vmem>> -> memref<1x128xi32, #tpu.memory_space<vmem>>
    %dma_start3A_5 = tpu.memref_squeeze %dma_start3A_4 : memref<1x128xi32, #tpu.memory_space<vmem>> -> memref<128xi32, #tpu.memory_space<vmem>>
    %dma_start3A_6 = arith.constant 0 : i32
    %dma_start3A_7 = arith.constant 0 : i32
    %dma_start3A_8 = tpu.memref_slice %arg2[%dma_start3A_6, %dma_start3A_7] : memref<20480x64xf32, #tpu.memory_space<hbm>> -> memref<20480x64xf32, #tpu.memory_space<hbm>>
    tpu.enqueue_indirect_dma source(%dma_start3A_8 : memref<20480x64xf32, #tpu.memory_space<hbm>>) target(%arg9 : memref<128x64xf32, #tpu.memory_space<vmem>>) offsets(%dma_start3A_5 : memref<128xi32, #tpu.memory_space<vmem>>) semaphore(%arg14 : memref<!tpu.dma_semaphore, #tpu.memory_space<semaphore_mem>>)
    %dma_start3A_9 = arith.constant 1 : i32
    %dma_start3A_10 = arith.constant 0 : i32
    %dma_start3A_11 = tpu.memref_slice %arg7[%dma_start3A_9, %dma_start3A_10] : memref<160x128xi32, #tpu.memory_space<vmem>> -> memref<1x128xi32, #tpu.memory_space<vmem>>
    %dma_start3A_12 = tpu.memref_squeeze %dma_start3A_11 : memref<1x128xi32, #tpu.memory_space<vmem>> -> memref<128xi32, #tpu.memory_space<vmem>>
    %dma_start3A_13 = arith.constant 0 : i32
    %dma_start3A_14 = arith.constant 0 : i32
    %dma_start3A_15 = tpu.memref_slice %arg2[%dma_start3A_13, %dma_start3A_14] : memref<20480x64xf32, #tpu.memory_space<hbm>> -> memref<20480x64xf32, #tpu.memory_space<hbm>>
    tpu.enqueue_indirect_dma source(%dma_start3A_15 : memref<20480x64xf32, #tpu.memory_space<hbm>>) target(%arg10 : memref<128x64xf32, #tpu.memory_space<vmem>>) offsets(%dma_start3A_12 : memref<128xi32, #tpu.memory_space<vmem>>) semaphore(%arg15 : memref<!tpu.dma_semaphore, #tpu.memory_space<semaphore_mem>>)
    %dma_wait3A = arith.constant 0 : i32
    %dma_wait3A_16 = arith.constant 0 : i32
    %dma_wait3A_17 = tpu.memref_slice %arg7[%dma_wait3A, %dma_wait3A_16] : memref<160x128xi32, #tpu.memory_space<vmem>> -> memref<1x128xi32, #tpu.memory_space<vmem>>
    %dma_wait3A_18 = tpu.memref_squeeze %dma_wait3A_17 : memref<1x128xi32, #tpu.memory_space<vmem>> -> memref<128xi32, #tpu.memory_space<vmem>>
    %dma_wait3A_19 = arith.constant 0 : i32
    %dma_wait3A_20 = arith.constant 0 : i32
    %dma_wait3A_21 = tpu.memref_slice %arg2[%dma_wait3A_19, %dma_wait3A_20] : memref<20480x64xf32, #tpu.memory_space<hbm>> -> memref<20480x64xf32, #tpu.memory_space<hbm>>
    tpu.wait_indirect_dma semaphore(%arg14 : memref<!tpu.dma_semaphore, #tpu.memory_space<semaphore_mem>>) src(%dma_wait3A_21 : memref<20480x64xf32, #tpu.memory_space<hbm>>) dst(%arg9 : memref<128x64xf32, #tpu.memory_space<vmem>>)
    %dma_start3A_22 = arith.constant 2 : i32
    %dma_start3A_23 = arith.constant 0 : i32
    %dma_start3A_24 = tpu.memref_slice %arg7[%dma_start3A_22, %dma_start3A_23] : memref<160x128xi32, #tpu.memory_space<vmem>> -> memref<1x128xi32, #tpu.memory_space<vmem>>
    %dma_start3A_25 = tpu.memref_squeeze %dma_start3A_24 : memref<1x128xi32, #tpu.memory_space<vmem>> -> memref<128xi32, #tpu.memory_space<vmem>>
    %dma_start3A_26 = arith.constant 0 : i32
    %dma_start3A_27 = arith.constant 0 : i32
    %dma_start3A_28 = tpu.memref_slice %arg2[%dma_start3A_26, %dma_start3A_27] : memref<20480x64xf32, #tpu.memory_space<hbm>> -> memref<20480x64xf32, #tpu.memory_space<hbm>>
    tpu.enqueue_indirect_dma source(%dma_start3A_28 : memref<20480x64xf32, #tpu.memory_space<hbm>>) target(%arg11 : memref<128x64xf32, #tpu.memory_space<vmem>>) offsets(%dma_start3A_25 : memref<128xi32, #tpu.memory_space<vmem>>) semaphore(%arg16 : memref<!tpu.dma_semaphore, #tpu.memory_space<semaphore_mem>>)
    %dma_start3A_29 = arith.constant 0 : i32
    %dma_start3A_30 = arith.constant 0 : i32
    %dma_start3A_31 = tpu.memref_slice %arg8[%dma_start3A_29, %dma_start3A_30] : memref<160x128xi32, #tpu.memory_space<vmem>> -> memref<1x128xi32, #tpu.memory_space<vmem>>
    %dma_start3A_32 = tpu.memref_squeeze %dma_start3A_31 : memref<1x128xi32, #tpu.memory_space<vmem>> -> memref<128xi32, #tpu.memory_space<vmem>>
    %dma_start3A_33 = arith.constant 0 : i32
    %dma_start3A_34 = arith.constant 0 : i32
    %dma_start3A_35 = tpu.memref_slice %arg13[%dma_start3A_33, %dma_start3A_34] : memref<10112x64xf32, #tpu.memory_space<vmem_shared>> -> memref<10112x64xf32, #tpu.memory_space<vmem_shared>>
    tpu.enqueue_indirect_dma source(%arg9 : memref<128x64xf32, #tpu.memory_space<vmem>>) target(%dma_start3A_35 : memref<10112x64xf32, #tpu.memory_space<vmem_shared>>) offsets(%dma_start3A_32 : memref<128xi32, #tpu.memory_space<vmem>>) semaphore(%arg14 : memref<!tpu.dma_semaphore, #tpu.memory_space<semaphore_mem>>) {add = true}
    %dma_wait3A_36 = arith.constant 1 : i32
    %dma_wait3A_37 = arith.constant 0 : i32
    %dma_wait3A_38 = tpu.memref_slice %arg7[%dma_wait3A_36, %dma_wait3A_37] : memref<160x128xi32, #tpu.memory_space<vmem>> -> memref<1x128xi32, #tpu.memory_space<vmem>>
    %dma_wait3A_39 = tpu.memref_squeeze %dma_wait3A_38 : memref<1x128xi32, #tpu.memory_space<vmem>> -> memref<128xi32, #tpu.memory_space<vmem>>
    %dma_wait3A_40 = arith.constant 0 : i32
    %dma_wait3A_41 = arith.constant 0 : i32
    %dma_wait3A_42 = tpu.memref_slice %arg2[%dma_wait3A_40, %dma_wait3A_41] : memref<20480x64xf32, #tpu.memory_space<hbm>> -> memref<20480x64xf32, #tpu.memory_space<hbm>>
    tpu.wait_indirect_dma semaphore(%arg15 : memref<!tpu.dma_semaphore, #tpu.memory_space<semaphore_mem>>) src(%dma_wait3A_42 : memref<20480x64xf32, #tpu.memory_space<hbm>>) dst(%arg10 : memref<128x64xf32, #tpu.memory_space<vmem>>)
    %dma_start3A_43 = arith.constant 3 : i32
    %dma_start3A_44 = arith.constant 0 : i32
    %dma_start3A_45 = tpu.memref_slice %arg7[%dma_start3A_43, %dma_start3A_44] : memref<160x128xi32, #tpu.memory_space<vmem>> -> memref<1x128xi32, #tpu.memory_space<vmem>>
    %dma_start3A_46 = tpu.memref_squeeze %dma_start3A_45 : memref<1x128xi32, #tpu.memory_space<vmem>> -> memref<128xi32, #tpu.memory_space<vmem>>
    %dma_start3A_47 = arith.constant 0 : i32
    %dma_start3A_48 = arith.constant 0 : i32
    %dma_start3A_49 = tpu.memref_slice %arg2[%dma_start3A_47, %dma_start3A_48] : memref<20480x64xf32, #tpu.memory_space<hbm>> -> memref<20480x64xf32, #tpu.memory_space<hbm>>
    tpu.enqueue_indirect_dma source(%dma_start3A_49 : memref<20480x64xf32, #tpu.memory_space<hbm>>) target(%arg12 : memref<128x64xf32, #tpu.memory_space<vmem>>) offsets(%dma_start3A_46 : memref<128xi32, #tpu.memory_space<vmem>>) semaphore(%arg17 : memref<!tpu.dma_semaphore, #tpu.memory_space<semaphore_mem>>)
    %dma_start3A_50 = arith.constant 1 : i32
    %dma_start3A_51 = arith.constant 0 : i32
    %dma_start3A_52 = tpu.memref_slice %arg8[%dma_start3A_50, %dma_start3A_51] : memref<160x128xi32, #tpu.memory_space<vmem>> -> memref<1x128xi32, #tpu.memory_space<vmem>>
    %dma_start3A_53 = tpu.memref_squeeze %dma_start3A_52 : memref<1x128xi32, #tpu.memory_space<vmem>> -> memref<128xi32, #tpu.memory_space<vmem>>
    %dma_start3A_54 = arith.constant 0 : i32
    %dma_start3A_55 = arith.constant 0 : i32
    %dma_start3A_56 = tpu.memref_slice %arg13[%dma_start3A_54, %dma_start3A_55] : memref<10112x64xf32, #tpu.memory_space<vmem_shared>> -> memref<10112x64xf32, #tpu.memory_space<vmem_shared>>
    tpu.enqueue_indirect_dma source(%arg10 : memref<128x64xf32, #tpu.memory_space<vmem>>) target(%dma_start3A_56 : memref<10112x64xf32, #tpu.memory_space<vmem_shared>>) offsets(%dma_start3A_53 : memref<128xi32, #tpu.memory_space<vmem>>) semaphore(%arg15 : memref<!tpu.dma_semaphore, #tpu.memory_space<semaphore_mem>>) {add = true}
    %scan3A = arith.constant 0 : i32
    %scan3A_57 = arith.constant 39 : i32
    %scan3A_58 = arith.addi %scan3A, %scan3A_57 : i32
    %scan3A_59 = arith.constant 1 : i32
    scf.for %scan3A_97 = %scan3A to %scan3A_58 step %scan3A_59  : i32 {
      %mul3A_98 = arith.constant 4 : i32
      %mul3A_99 = arith.muli %scan3A_97, %mul3A_98 : i32
      %add3A_100 = arith.constant 2 : i32
      %add3A_101 = arith.addi %add3A_100, %mul3A_99 : i32
      %add3A_102 = arith.constant 0 : i32
      %add3A_103 = arith.addi %add3A_101, %add3A_102 : i32
      %dma_wait3A_104 = arith.constant 0 : i32
      %dma_wait3A_105 = tpu.memref_slice %arg7[%add3A_103, %dma_wait3A_104] : memref<160x128xi32, #tpu.memory_space<vmem>> -> memref<1x128xi32, #tpu.memory_space<vmem>>
      %dma_wait3A_106 = tpu.memref_squeeze %dma_wait3A_105 : memref<1x128xi32, #tpu.memory_space<vmem>> -> memref<128xi32, #tpu.memory_space<vmem>>
      %dma_wait3A_107 = arith.constant 0 : i32
      %dma_wait3A_108 = arith.constant 0 : i32
      %dma_wait3A_109 = tpu.memref_slice %arg2[%dma_wait3A_107, %dma_wait3A_108] : memref<20480x64xf32, #tpu.memory_space<hbm>> -> memref<20480x64xf32, #tpu.memory_space<hbm>>
      tpu.wait_indirect_dma semaphore(%arg16 : memref<!tpu.dma_semaphore, #tpu.memory_space<semaphore_mem>>) src(%dma_wait3A_109 : memref<20480x64xf32, #tpu.memory_space<hbm>>) dst(%arg11 : memref<128x64xf32, #tpu.memory_space<vmem>>)
      %sub3A = arith.constant 2 : i32
      %sub3A_110 = arith.subi %add3A_103, %sub3A : i32
      %dma_wait3A_111 = arith.constant 0 : i32
      %dma_wait3A_112 = tpu.memref_slice %arg8[%sub3A_110, %dma_wait3A_111] : memref<160x128xi32, #tpu.memory_space<vmem>> -> memref<1x128xi32, #tpu.memory_space<vmem>>
      %dma_wait3A_113 = tpu.memref_squeeze %dma_wait3A_112 : memref<1x128xi32, #tpu.memory_space<vmem>> -> memref<128xi32, #tpu.memory_space<vmem>>
      %dma_wait3A_114 = arith.constant 0 : i32
      %dma_wait3A_115 = arith.constant 0 : i32
      %dma_wait3A_116 = tpu.memref_slice %arg13[%dma_wait3A_114, %dma_wait3A_115] : memref<10112x64xf32, #tpu.memory_space<vmem_shared>> -> memref<10112x64xf32, #tpu.memory_space<vmem_shared>>
      tpu.wait_indirect_dma semaphore(%arg14 : memref<!tpu.dma_semaphore, #tpu.memory_space<semaphore_mem>>) src(%arg9 : memref<128x64xf32, #tpu.memory_space<vmem>>) dst(%dma_wait3A_116 : memref<10112x64xf32, #tpu.memory_space<vmem_shared>>)
      %add3A_117 = arith.constant 2 : i32
      %add3A_118 = arith.addi %add3A_103, %add3A_117 : i32
      %dma_start3A_119 = arith.constant 0 : i32
      %dma_start3A_120 = tpu.memref_slice %arg7[%add3A_118, %dma_start3A_119] : memref<160x128xi32, #tpu.memory_space<vmem>> -> memref<1x128xi32, #tpu.memory_space<vmem>>
      %dma_start3A_121 = tpu.memref_squeeze %dma_start3A_120 : memref<1x128xi32, #tpu.memory_space<vmem>> -> memref<128xi32, #tpu.memory_space<vmem>>
      %dma_start3A_122 = arith.constant 0 : i32
      %dma_start3A_123 = arith.constant 0 : i32
      %dma_start3A_124 = tpu.memref_slice %arg2[%dma_start3A_122, %dma_start3A_123] : memref<20480x64xf32, #tpu.memory_space<hbm>> -> memref<20480x64xf32, #tpu.memory_space<hbm>>
      tpu.enqueue_indirect_dma source(%dma_start3A_124 : memref<20480x64xf32, #tpu.memory_space<hbm>>) target(%arg9 : memref<128x64xf32, #tpu.memory_space<vmem>>) offsets(%dma_start3A_121 : memref<128xi32, #tpu.memory_space<vmem>>) semaphore(%arg14 : memref<!tpu.dma_semaphore, #tpu.memory_space<semaphore_mem>>)
      %dma_start3A_125 = arith.constant 0 : i32
      %dma_start3A_126 = tpu.memref_slice %arg8[%add3A_103, %dma_start3A_125] : memref<160x128xi32, #tpu.memory_space<vmem>> -> memref<1x128xi32, #tpu.memory_space<vmem>>
      %dma_start3A_127 = tpu.memref_squeeze %dma_start3A_126 : memref<1x128xi32, #tpu.memory_space<vmem>> -> memref<128xi32, #tpu.memory_space<vmem>>
      %dma_start3A_128 = arith.constant 0 : i32
      %dma_start3A_129 = arith.constant 0 : i32
      %dma_start3A_130 = tpu.memref_slice %arg13[%dma_start3A_128, %dma_start3A_129] : memref<10112x64xf32, #tpu.memory_space<vmem_shared>> -> memref<10112x64xf32, #tpu.memory_space<vmem_shared>>
      tpu.enqueue_indirect_dma source(%arg11 : memref<128x64xf32, #tpu.memory_space<vmem>>) target(%dma_start3A_130 : memref<10112x64xf32, #tpu.memory_space<vmem_shared>>) offsets(%dma_start3A_127 : memref<128xi32, #tpu.memory_space<vmem>>) semaphore(%arg16 : memref<!tpu.dma_semaphore, #tpu.memory_space<semaphore_mem>>) {add = true}
      %add3A_131 = arith.constant 1 : i32
      %add3A_132 = arith.addi %add3A_101, %add3A_131 : i32
      %dma_wait3A_133 = arith.constant 0 : i32
      %dma_wait3A_134 = tpu.memref_slice %arg7[%add3A_132, %dma_wait3A_133] : memref<160x128xi32, #tpu.memory_space<vmem>> -> memref<1x128xi32, #tpu.memory_space<vmem>>
      %dma_wait3A_135 = tpu.memref_squeeze %dma_wait3A_134 : memref<1x128xi32, #tpu.memory_space<vmem>> -> memref<128xi32, #tpu.memory_space<vmem>>
      %dma_wait3A_136 = arith.constant 0 : i32
      %dma_wait3A_137 = arith.constant 0 : i32
      %dma_wait3A_138 = tpu.memref_slice %arg2[%dma_wait3A_136, %dma_wait3A_137] : memref<20480x64xf32, #tpu.memory_space<hbm>> -> memref<20480x64xf32, #tpu.memory_space<hbm>>
      tpu.wait_indirect_dma semaphore(%arg17 : memref<!tpu.dma_semaphore, #tpu.memory_space<semaphore_mem>>) src(%dma_wait3A_138 : memref<20480x64xf32, #tpu.memory_space<hbm>>) dst(%arg12 : memref<128x64xf32, #tpu.memory_space<vmem>>)
      %sub3A_139 = arith.constant 2 : i32
      %sub3A_140 = arith.subi %add3A_132, %sub3A_139 : i32
      %dma_wait3A_141 = arith.constant 0 : i32
      %dma_wait3A_142 = tpu.memref_slice %arg8[%sub3A_140, %dma_wait3A_141] : memref<160x128xi32, #tpu.memory_space<vmem>> -> memref<1x128xi32, #tpu.memory_space<vmem>>
      %dma_wait3A_143 = tpu.memref_squeeze %dma_wait3A_142 : memref<1x128xi32, #tpu.memory_space<vmem>> -> memref<128xi32, #tpu.memory_space<vmem>>
      %dma_wait3A_144 = arith.constant 0 : i32
      %dma_wait3A_145 = arith.constant 0 : i32
      %dma_wait3A_146 = tpu.memref_slice %arg13[%dma_wait3A_144, %dma_wait3A_145] : memref<10112x64xf32, #tpu.memory_space<vmem_shared>> -> memref<10112x64xf32, #tpu.memory_space<vmem_shared>>
      tpu.wait_indirect_dma semaphore(%arg15 : memref<!tpu.dma_semaphore, #tpu.memory_space<semaphore_mem>>) src(%arg10 : memref<128x64xf32, #tpu.memory_space<vmem>>) dst(%dma_wait3A_146 : memref<10112x64xf32, #tpu.memory_space<vmem_shared>>)
      %add3A_147 = arith.constant 2 : i32
      %add3A_148 = arith.addi %add3A_132, %add3A_147 : i32
      %dma_start3A_149 = arith.constant 0 : i32
      %dma_start3A_150 = tpu.memref_slice %arg7[%add3A_148, %dma_start3A_149] : memref<160x128xi32, #tpu.memory_space<vmem>> -> memref<1x128xi32, #tpu.memory_space<vmem>>
      %dma_start3A_151 = tpu.memref_squeeze %dma_start3A_150 : memref<1x128xi32, #tpu.memory_space<vmem>> -> memref<128xi32, #tpu.memory_space<vmem>>
      %dma_start3A_152 = arith.constant 0 : i32
      %dma_start3A_153 = arith.constant 0 : i32
      %dma_start3A_154 = tpu.memref_slice %arg2[%dma_start3A_152, %dma_start3A_153] : memref<20480x64xf32, #tpu.memory_space<hbm>> -> memref<20480x64xf32, #tpu.memory_space<hbm>>
      tpu.enqueue_indirect_dma source(%dma_start3A_154 : memref<20480x64xf32, #tpu.memory_space<hbm>>) target(%arg10 : memref<128x64xf32, #tpu.memory_space<vmem>>) offsets(%dma_start3A_151 : memref<128xi32, #tpu.memory_space<vmem>>) semaphore(%arg15 : memref<!tpu.dma_semaphore, #tpu.memory_space<semaphore_mem>>)
      %dma_start3A_155 = arith.constant 0 : i32
      %dma_start3A_156 = tpu.memref_slice %arg8[%add3A_132, %dma_start3A_155] : memref<160x128xi32, #tpu.memory_space<vmem>> -> memref<1x128xi32, #tpu.memory_space<vmem>>
      %dma_start3A_157 = tpu.memref_squeeze %dma_start3A_156 : memref<1x128xi32, #tpu.memory_space<vmem>> -> memref<128xi32, #tpu.memory_space<vmem>>
      %dma_start3A_158 = arith.constant 0 : i32
      %dma_start3A_159 = arith.constant 0 : i32
      %dma_start3A_160 = tpu.memref_slice %arg13[%dma_start3A_158, %dma_start3A_159] : memref<10112x64xf32, #tpu.memory_space<vmem_shared>> -> memref<10112x64xf32, #tpu.memory_space<vmem_shared>>
      tpu.enqueue_indirect_dma source(%arg12 : memref<128x64xf32, #tpu.memory_space<vmem>>) target(%dma_start3A_160 : memref<10112x64xf32, #tpu.memory_space<vmem_shared>>) offsets(%dma_start3A_157 : memref<128xi32, #tpu.memory_space<vmem>>) semaphore(%arg17 : memref<!tpu.dma_semaphore, #tpu.memory_space<semaphore_mem>>) {add = true}
      %add3A_161 = arith.constant 2 : i32
      %add3A_162 = arith.addi %add3A_101, %add3A_161 : i32
      %dma_wait3A_163 = arith.constant 0 : i32
      %dma_wait3A_164 = tpu.memref_slice %arg7[%add3A_162, %dma_wait3A_163] : memref<160x128xi32, #tpu.memory_space<vmem>> -> memref<1x128xi32, #tpu.memory_space<vmem>>
      %dma_wait3A_165 = tpu.memref_squeeze %dma_wait3A_164 : memref<1x128xi32, #tpu.memory_space<vmem>> -> memref<128xi32, #tpu.memory_space<vmem>>
      %dma_wait3A_166 = arith.constant 0 : i32
      %dma_wait3A_167 = arith.constant 0 : i32
      %dma_wait3A_168 = tpu.memref_slice %arg2[%dma_wait3A_166, %dma_wait3A_167] : memref<20480x64xf32, #tpu.memory_space<hbm>> -> memref<20480x64xf32, #tpu.memory_space<hbm>>
      tpu.wait_indirect_dma semaphore(%arg14 : memref<!tpu.dma_semaphore, #tpu.memory_space<semaphore_mem>>) src(%dma_wait3A_168 : memref<20480x64xf32, #tpu.memory_space<hbm>>) dst(%arg9 : memref<128x64xf32, #tpu.memory_space<vmem>>)
      %sub3A_169 = arith.constant 2 : i32
      %sub3A_170 = arith.subi %add3A_162, %sub3A_169 : i32
      %dma_wait3A_171 = arith.constant 0 : i32
      %dma_wait3A_172 = tpu.memref_slice %arg8[%sub3A_170, %dma_wait3A_171] : memref<160x128xi32, #tpu.memory_space<vmem>> -> memref<1x128xi32, #tpu.memory_space<vmem>>
      %dma_wait3A_173 = tpu.memref_squeeze %dma_wait3A_172 : memref<1x128xi32, #tpu.memory_space<vmem>> -> memref<128xi32, #tpu.memory_space<vmem>>
      %dma_wait3A_174 = arith.constant 0 : i32
      %dma_wait3A_175 = arith.constant 0 : i32
      %dma_wait3A_176 = tpu.memref_slice %arg13[%dma_wait3A_174, %dma_wait3A_175] : memref<10112x64xf32, #tpu.memory_space<vmem_shared>> -> memref<10112x64xf32, #tpu.memory_space<vmem_shared>>
      tpu.wait_indirect_dma semaphore(%arg16 : memref<!tpu.dma_semaphore, #tpu.memory_space<semaphore_mem>>) src(%arg11 : memref<128x64xf32, #tpu.memory_space<vmem>>) dst(%dma_wait3A_176 : memref<10112x64xf32, #tpu.memory_space<vmem_shared>>)
      %add3A_177 = arith.constant 2 : i32
      %add3A_178 = arith.addi %add3A_162, %add3A_177 : i32
      %dma_start3A_179 = arith.constant 0 : i32
      %dma_start3A_180 = tpu.memref_slice %arg7[%add3A_178, %dma_start3A_179] : memref<160x128xi32, #tpu.memory_space<vmem>> -> memref<1x128xi32, #tpu.memory_space<vmem>>
      %dma_start3A_181 = tpu.memref_squeeze %dma_start3A_180 : memref<1x128xi32, #tpu.memory_space<vmem>> -> memref<128xi32, #tpu.memory_space<vmem>>
      %dma_start3A_182 = arith.constant 0 : i32
      %dma_start3A_183 = arith.constant 0 : i32
      %dma_start3A_184 = tpu.memref_slice %arg2[%dma_start3A_182, %dma_start3A_183] : memref<20480x64xf32, #tpu.memory_space<hbm>> -> memref<20480x64xf32, #tpu.memory_space<hbm>>
      tpu.enqueue_indirect_dma source(%dma_start3A_184 : memref<20480x64xf32, #tpu.memory_space<hbm>>) target(%arg11 : memref<128x64xf32, #tpu.memory_space<vmem>>) offsets(%dma_start3A_181 : memref<128xi32, #tpu.memory_space<vmem>>) semaphore(%arg16 : memref<!tpu.dma_semaphore, #tpu.memory_space<semaphore_mem>>)
      %dma_start3A_185 = arith.constant 0 : i32
      %dma_start3A_186 = tpu.memref_slice %arg8[%add3A_162, %dma_start3A_185] : memref<160x128xi32, #tpu.memory_space<vmem>> -> memref<1x128xi32, #tpu.memory_space<vmem>>
      %dma_start3A_187 = tpu.memref_squeeze %dma_start3A_186 : memref<1x128xi32, #tpu.memory_space<vmem>> -> memref<128xi32, #tpu.memory_space<vmem>>
      %dma_start3A_188 = arith.constant 0 : i32
      %dma_start3A_189 = arith.constant 0 : i32
      %dma_start3A_190 = tpu.memref_slice %arg13[%dma_start3A_188, %dma_start3A_189] : memref<10112x64xf32, #tpu.memory_space<vmem_shared>> -> memref<10112x64xf32, #tpu.memory_space<vmem_shared>>
      tpu.enqueue_indirect_dma source(%arg9 : memref<128x64xf32, #tpu.memory_space<vmem>>) target(%dma_start3A_190 : memref<10112x64xf32, #tpu.memory_space<vmem_shared>>) offsets(%dma_start3A_187 : memref<128xi32, #tpu.memory_space<vmem>>) semaphore(%arg14 : memref<!tpu.dma_semaphore, #tpu.memory_space<semaphore_mem>>) {add = true}
      %add3A_191 = arith.constant 3 : i32
      %add3A_192 = arith.addi %add3A_101, %add3A_191 : i32
      %dma_wait3A_193 = arith.constant 0 : i32
      %dma_wait3A_194 = tpu.memref_slice %arg7[%add3A_192, %dma_wait3A_193] : memref<160x128xi32, #tpu.memory_space<vmem>> -> memref<1x128xi32, #tpu.memory_space<vmem>>
      %dma_wait3A_195 = tpu.memref_squeeze %dma_wait3A_194 : memref<1x128xi32, #tpu.memory_space<vmem>> -> memref<128xi32, #tpu.memory_space<vmem>>
      %dma_wait3A_196 = arith.constant 0 : i32
      %dma_wait3A_197 = arith.constant 0 : i32
      %dma_wait3A_198 = tpu.memref_slice %arg2[%dma_wait3A_196, %dma_wait3A_197] : memref<20480x64xf32, #tpu.memory_space<hbm>> -> memref<20480x64xf32, #tpu.memory_space<hbm>>
      tpu.wait_indirect_dma semaphore(%arg15 : memref<!tpu.dma_semaphore, #tpu.memory_space<semaphore_mem>>) src(%dma_wait3A_198 : memref<20480x64xf32, #tpu.memory_space<hbm>>) dst(%arg10 : memref<128x64xf32, #tpu.memory_space<vmem>>)
      %sub3A_199 = arith.constant 2 : i32
      %sub3A_200 = arith.subi %add3A_192, %sub3A_199 : i32
      %dma_wait3A_201 = arith.constant 0 : i32
      %dma_wait3A_202 = tpu.memref_slice %arg8[%sub3A_200, %dma_wait3A_201] : memref<160x128xi32, #tpu.memory_space<vmem>> -> memref<1x128xi32, #tpu.memory_space<vmem>>
      %dma_wait3A_203 = tpu.memref_squeeze %dma_wait3A_202 : memref<1x128xi32, #tpu.memory_space<vmem>> -> memref<128xi32, #tpu.memory_space<vmem>>
      %dma_wait3A_204 = arith.constant 0 : i32
      %dma_wait3A_205 = arith.constant 0 : i32
      %dma_wait3A_206 = tpu.memref_slice %arg13[%dma_wait3A_204, %dma_wait3A_205] : memref<10112x64xf32, #tpu.memory_space<vmem_shared>> -> memref<10112x64xf32, #tpu.memory_space<vmem_shared>>
      tpu.wait_indirect_dma semaphore(%arg17 : memref<!tpu.dma_semaphore, #tpu.memory_space<semaphore_mem>>) src(%arg12 : memref<128x64xf32, #tpu.memory_space<vmem>>) dst(%dma_wait3A_206 : memref<10112x64xf32, #tpu.memory_space<vmem_shared>>)
      %add3A_207 = arith.constant 2 : i32
      %add3A_208 = arith.addi %add3A_192, %add3A_207 : i32
      %dma_start3A_209 = arith.constant 0 : i32
      %dma_start3A_210 = tpu.memref_slice %arg7[%add3A_208, %dma_start3A_209] : memref<160x128xi32, #tpu.memory_space<vmem>> -> memref<1x128xi32, #tpu.memory_space<vmem>>
      %dma_start3A_211 = tpu.memref_squeeze %dma_start3A_210 : memref<1x128xi32, #tpu.memory_space<vmem>> -> memref<128xi32, #tpu.memory_space<vmem>>
      %dma_start3A_212 = arith.constant 0 : i32
      %dma_start3A_213 = arith.constant 0 : i32
      %dma_start3A_214 = tpu.memref_slice %arg2[%dma_start3A_212, %dma_start3A_213] : memref<20480x64xf32, #tpu.memory_space<hbm>> -> memref<20480x64xf32, #tpu.memory_space<hbm>>
      tpu.enqueue_indirect_dma source(%dma_start3A_214 : memref<20480x64xf32, #tpu.memory_space<hbm>>) target(%arg12 : memref<128x64xf32, #tpu.memory_space<vmem>>) offsets(%dma_start3A_211 : memref<128xi32, #tpu.memory_space<vmem>>) semaphore(%arg17 : memref<!tpu.dma_semaphore, #tpu.memory_space<semaphore_mem>>)
      %dma_start3A_215 = arith.constant 0 : i32
      %dma_start3A_216 = tpu.memref_slice %arg8[%add3A_192, %dma_start3A_215] : memref<160x128xi32, #tpu.memory_space<vmem>> -> memref<1x128xi32, #tpu.memory_space<vmem>>
      %dma_start3A_217 = tpu.memref_squeeze %dma_start3A_216 : memref<1x128xi32, #tpu.memory_space<vmem>> -> memref<128xi32, #tpu.memory_space<vmem>>
      %dma_start3A_218 = arith.constant 0 : i32
      %dma_start3A_219 = arith.constant 0 : i32
      %dma_start3A_220 = tpu.memref_slice %arg13[%dma_start3A_218, %dma_start3A_219] : memref<10112x64xf32, #tpu.memory_space<vmem_shared>> -> memref<10112x64xf32, #tpu.memory_space<vmem_shared>>
      tpu.enqueue_indirect_dma source(%arg10 : memref<128x64xf32, #tpu.memory_space<vmem>>) target(%dma_start3A_220 : memref<10112x64xf32, #tpu.memory_space<vmem_shared>>) offsets(%dma_start3A_217 : memref<128xi32, #tpu.memory_space<vmem>>) semaphore(%arg15 : memref<!tpu.dma_semaphore, #tpu.memory_space<semaphore_mem>>) {add = true}
    }
    %scan3A_60 = arith.constant 39 : i32
    %dma_wait3A_61 = arith.constant 156 : i32
    %dma_wait3A_62 = arith.constant 0 : i32
    %dma_wait3A_63 = tpu.memref_slice %arg8[%dma_wait3A_61, %dma_wait3A_62] : memref<160x128xi32, #tpu.memory_space<vmem>> -> memref<1x128xi32, #tpu.memory_space<vmem>>
    %dma_wait3A_64 = tpu.memref_squeeze %dma_wait3A_63 : memref<1x128xi32, #tpu.memory_space<vmem>> -> memref<128xi32, #tpu.memory_space<vmem>>
    %dma_wait3A_65 = arith.constant 0 : i32
    %dma_wait3A_66 = arith.constant 0 : i32
    %dma_wait3A_67 = tpu.memref_slice %arg13[%dma_wait3A_65, %dma_wait3A_66] : memref<10112x64xf32, #tpu.memory_space<vmem_shared>> -> memref<10112x64xf32, #tpu.memory_space<vmem_shared>>
    tpu.wait_indirect_dma semaphore(%arg14 : memref<!tpu.dma_semaphore, #tpu.memory_space<semaphore_mem>>) src(%arg9 : memref<128x64xf32, #tpu.memory_space<vmem>>) dst(%dma_wait3A_67 : memref<10112x64xf32, #tpu.memory_space<vmem_shared>>)
    %dma_wait3A_68 = arith.constant 157 : i32
    %dma_wait3A_69 = arith.constant 0 : i32
    %dma_wait3A_70 = tpu.memref_slice %arg8[%dma_wait3A_68, %dma_wait3A_69] : memref<160x128xi32, #tpu.memory_space<vmem>> -> memref<1x128xi32, #tpu.memory_space<vmem>>
    %dma_wait3A_71 = tpu.memref_squeeze %dma_wait3A_70 : memref<1x128xi32, #tpu.memory_space<vmem>> -> memref<128xi32, #tpu.memory_space<vmem>>
    %dma_wait3A_72 = arith.constant 0 : i32
    %dma_wait3A_73 = arith.constant 0 : i32
    %dma_wait3A_74 = tpu.memref_slice %arg13[%dma_wait3A_72, %dma_wait3A_73] : memref<10112x64xf32, #tpu.memory_space<vmem_shared>> -> memref<10112x64xf32, #tpu.memory_space<vmem_shared>>
    tpu.wait_indirect_dma semaphore(%arg15 : memref<!tpu.dma_semaphore, #tpu.memory_space<semaphore_mem>>) src(%arg10 : memref<128x64xf32, #tpu.memory_space<vmem>>) dst(%dma_wait3A_74 : memref<10112x64xf32, #tpu.memory_space<vmem_shared>>)
    %dma_wait3A_75 = arith.constant 158 : i32
    %dma_wait3A_76 = arith.constant 0 : i32
    %dma_wait3A_77 = tpu.memref_slice %arg7[%dma_wait3A_75, %dma_wait3A_76] : memref<160x128xi32, #tpu.memory_space<vmem>> -> memref<1x128xi32, #tpu.memory_space<vmem>>
    %dma_wait3A_78 = tpu.memref_squeeze %dma_wait3A_77 : memref<1x128xi32, #tpu.memory_space<vmem>> -> memref<128xi32, #tpu.memory_space<vmem>>
    %dma_wait3A_79 = arith.constant 0 : i32
    %dma_wait3A_80 = arith.constant 0 : i32
    %dma_wait3A_81 = tpu.memref_slice %arg2[%dma_wait3A_79, %dma_wait3A_80] : memref<20480x64xf32, #tpu.memory_space<hbm>> -> memref<20480x64xf32, #tpu.memory_space<hbm>>
    tpu.wait_indirect_dma semaphore(%arg16 : memref<!tpu.dma_semaphore, #tpu.memory_space<semaphore_mem>>) src(%dma_wait3A_81 : memref<20480x64xf32, #tpu.memory_space<hbm>>) dst(%arg11 : memref<128x64xf32, #tpu.memory_space<vmem>>)
    %dma_wait3A_82 = arith.constant 159 : i32
    %dma_wait3A_83 = arith.constant 0 : i32
    %dma_wait3A_84 = tpu.memref_slice %arg7[%dma_wait3A_82, %dma_wait3A_83] : memref<160x128xi32, #tpu.memory_space<vmem>> -> memref<1x128xi32, #tpu.memory_space<vmem>>
    %dma_wait3A_85 = tpu.memref_squeeze %dma_wait3A_84 : memref<1x128xi32, #tpu.memory_space<vmem>> -> memref<128xi32, #tpu.memory_space<vmem>>
    %dma_wait3A_86 = arith.constant 0 : i32
    %dma_wait3A_87 = arith.constant 0 : i32
    %dma_wait3A_88 = tpu.memref_slice %arg2[%dma_wait3A_86, %dma_wait3A_87] : memref<20480x64xf32, #tpu.memory_space<hbm>> -> memref<20480x64xf32, #tpu.memory_space<hbm>>
    tpu.wait_indirect_dma semaphore(%arg17 : memref<!tpu.dma_semaphore, #tpu.memory_space<semaphore_mem>>) src(%dma_wait3A_88 : memref<20480x64xf32, #tpu.memory_space<hbm>>) dst(%arg12 : memref<128x64xf32, #tpu.memory_space<vmem>>)
    %barrier3A_89 = arith.constant 0 : index
    tpu.barrier barrier_id(%barrier3A_89)
    %mul3A_90 = arith.constant 632 : i32
    %mul3A_91 = arith.muli %arg1, %mul3A_90 : i32
    %mul3A_92 = arith.constant 10112 : i32
    %mul3A_93 = arith.muli %arg0, %mul3A_92 : i32
    %mul3A_94 = arith.constant 632 : i32
    %mul3A_95 = arith.muli %arg1, %mul3A_94 : i32
    %add3A_96 = arith.addi %mul3A_93, %mul3A_95 : i32
    "tpu.region"() ({
      %run_scoped3A = tpu.sem_alloc : memref<!tpu.dma_semaphore, #tpu.memory_space<semaphore_mem>>
      %dma_start3A_97 = arith.constant 0 : i32
      %dma_start3A_98 = tpu.memref_slice %arg6[%add3A_96, %dma_start3A_97] : memref<20224x64xf32, #tpu.memory_space<hbm>> -> memref<632x64xf32, #tpu.memory_space<hbm>>
      %dma_start3A_99 = arith.constant 0 : i32
      %dma_start3A_100 = tpu.memref_slice %arg13[%mul3A_91, %dma_start3A_99] : memref<10112x64xf32, #tpu.memory_space<vmem_shared>> -> memref<632x64xf32, #tpu.memory_space<vmem_shared>>
      tpu.enqueue_dma source(%dma_start3A_100 : memref<632x64xf32, #tpu.memory_space<vmem_shared>>) target(%dma_start3A_98 : memref<632x64xf32, #tpu.memory_space<hbm>>) target_semaphore(%run_scoped3A : memref<!tpu.dma_semaphore, #tpu.memory_space<semaphore_mem>>)
      %dma_wait3A_101 = arith.constant 0 : i32
      %dma_wait3A_102 = tpu.memref_slice %arg6[%add3A_96, %dma_wait3A_101] : memref<20224x64xf32, #tpu.memory_space<hbm>> -> memref<632x64xf32, #tpu.memory_space<hbm>>
      %dma_wait3A_103 = arith.constant 0 : i32
      %dma_wait3A_104 = tpu.memref_slice %arg13[%mul3A_91, %dma_wait3A_103] : memref<10112x64xf32, #tpu.memory_space<vmem_shared>> -> memref<632x64xf32, #tpu.memory_space<vmem_shared>>
      tpu.wait_dma2 semaphore(%run_scoped3A : memref<!tpu.dma_semaphore, #tpu.memory_space<semaphore_mem>>) src(%dma_wait3A_104 : memref<632x64xf32, #tpu.memory_space<vmem_shared>>) dst(%dma_wait3A_102 : memref<632x64xf32, #tpu.memory_space<hbm>>)
      tpu.yield
    }) : () -> ()
    return
  }
}

#map = affine_map<(d0, d1) -> (0, 0, 0)>
#map1 = affine_map<(d0, d1) -> (0, 0)>
module attributes {stable_mosaic.version = 14 : i64} {
  func.func @_deg_kernel(%arg0: i32, %arg1: i32, %arg2: memref<32x79x128xi32, #tpu.memory_space<hbm>>, %arg3: memref<128x32xf32, #tpu.memory_space<hbm>>, %arg4: memref<632x32xf32, #tpu.memory_space<hbm>>, %arg5: memref<20224x32xf32, #tpu.memory_space<hbm>>, %arg6: memref<79x128xi32, #tpu.memory_space<vmem>>, %arg7: memref<128x32xf32, #tpu.memory_space<vmem>>, %arg8: memref<10112x32xf32, #tpu.memory_space<vmem_shared>>) attributes {dimension_semantics = [#tpu.dimension_semantics<core_parallel>, #tpu.dimension_semantics<subcore_parallel>], iteration_bounds = array<i64: 2, 16>, scalar_prefetch = 0 : i64, scratch_operands = 3 : i64, tpu.core_type = #tpu.core_type<sc_vector_subcore>, window_params = [{transform_indices = #map}, {transform_indices = #map1}, {transform_indices = #map1}, {transform_indices = #map1}]} {
    %mul3A = arith.constant 16 : i32
    %mul3A_0 = arith.muli %arg0, %mul3A : i32
    %add3A = arith.addi %mul3A_0, %arg1 : i32
    %mul3A_1 = arith.constant 632 : i32
    %mul3A_2 = arith.muli %arg1, %mul3A_1 : i32
    "tpu.region"() ({
      %run_scoped3A = tpu.sem_alloc : memref<!tpu.dma_semaphore, #tpu.memory_space<semaphore_mem>>
      %dma_start3A = arith.constant 0 : i32
      %dma_start3A_15 = tpu.memref_slice %arg8[%mul3A_2, %dma_start3A] : memref<10112x32xf32, #tpu.memory_space<vmem_shared>> -> memref<632x32xf32, #tpu.memory_space<vmem_shared>>
      tpu.enqueue_dma source(%arg4 : memref<632x32xf32, #tpu.memory_space<hbm>>) target(%dma_start3A_15 : memref<632x32xf32, #tpu.memory_space<vmem_shared>>) target_semaphore(%run_scoped3A : memref<!tpu.dma_semaphore, #tpu.memory_space<semaphore_mem>>)
      %dma_wait3A = arith.constant 0 : i32
      %dma_wait3A_16 = tpu.memref_slice %arg8[%mul3A_2, %dma_wait3A] : memref<10112x32xf32, #tpu.memory_space<vmem_shared>> -> memref<632x32xf32, #tpu.memory_space<vmem_shared>>
      tpu.wait_dma2 semaphore(%run_scoped3A : memref<!tpu.dma_semaphore, #tpu.memory_space<semaphore_mem>>) src(%arg4 : memref<632x32xf32, #tpu.memory_space<hbm>>) dst(%dma_wait3A_16 : memref<632x32xf32, #tpu.memory_space<vmem_shared>>)
      tpu.yield
    }) : () -> ()
    "tpu.region"() ({
      %run_scoped3A = tpu.sem_alloc : memref<!tpu.dma_semaphore, #tpu.memory_space<semaphore_mem>>
      tpu.enqueue_dma source(%arg3 : memref<128x32xf32, #tpu.memory_space<hbm>>) target(%arg7 : memref<128x32xf32, #tpu.memory_space<vmem>>) target_semaphore(%run_scoped3A : memref<!tpu.dma_semaphore, #tpu.memory_space<semaphore_mem>>)
      tpu.wait_dma2 semaphore(%run_scoped3A : memref<!tpu.dma_semaphore, #tpu.memory_space<semaphore_mem>>) src(%arg3 : memref<128x32xf32, #tpu.memory_space<hbm>>) dst(%arg7 : memref<128x32xf32, #tpu.memory_space<vmem>>)
      tpu.yield
    }) : () -> ()
    "tpu.region"() ({
      %run_scoped3A = tpu.sem_alloc : memref<!tpu.dma_semaphore, #tpu.memory_space<semaphore_mem>>
      %dma_start3A = arith.constant 0 : i32
      %dma_start3A_15 = arith.constant 0 : i32
      %dma_start3A_16 = tpu.memref_slice %arg2[%add3A, %dma_start3A, %dma_start3A_15] : memref<32x79x128xi32, #tpu.memory_space<hbm>> -> memref<1x79x128xi32, #tpu.memory_space<hbm>>
      %dma_start3A_17 = tpu.memref_squeeze %dma_start3A_16 : memref<1x79x128xi32, #tpu.memory_space<hbm>> -> memref<79x128xi32, #tpu.memory_space<hbm>>
      %dma_start3A_18 = arith.constant 0 : i32
      %dma_start3A_19 = arith.constant 0 : i32
      %dma_start3A_20 = tpu.memref_slice %arg2[%add3A, %dma_start3A_18, %dma_start3A_19] : memref<32x79x128xi32, #tpu.memory_space<hbm>> -> memref<1x79x128xi32, #tpu.memory_space<hbm>>
      %dma_start3A_21 = tpu.memref_squeeze %dma_start3A_20 : memref<1x79x128xi32, #tpu.memory_space<hbm>> -> memref<79x128xi32, #tpu.memory_space<hbm>>
      tpu.enqueue_dma source(%dma_start3A_21 : memref<79x128xi32, #tpu.memory_space<hbm>>) target(%arg6 : memref<79x128xi32, #tpu.memory_space<vmem>>) target_semaphore(%run_scoped3A : memref<!tpu.dma_semaphore, #tpu.memory_space<semaphore_mem>>)
      %dma_wait3A = arith.constant 0 : i32
      %dma_wait3A_22 = arith.constant 0 : i32
      %dma_wait3A_23 = tpu.memref_slice %arg2[%add3A, %dma_wait3A, %dma_wait3A_22] : memref<32x79x128xi32, #tpu.memory_space<hbm>> -> memref<1x79x128xi32, #tpu.memory_space<hbm>>
      %dma_wait3A_24 = tpu.memref_squeeze %dma_wait3A_23 : memref<1x79x128xi32, #tpu.memory_space<hbm>> -> memref<79x128xi32, #tpu.memory_space<hbm>>
      %dma_wait3A_25 = arith.constant 0 : i32
      %dma_wait3A_26 = arith.constant 0 : i32
      %dma_wait3A_27 = tpu.memref_slice %arg2[%add3A, %dma_wait3A_25, %dma_wait3A_26] : memref<32x79x128xi32, #tpu.memory_space<hbm>> -> memref<1x79x128xi32, #tpu.memory_space<hbm>>
      %dma_wait3A_28 = tpu.memref_squeeze %dma_wait3A_27 : memref<1x79x128xi32, #tpu.memory_space<hbm>> -> memref<79x128xi32, #tpu.memory_space<hbm>>
      tpu.wait_dma2 semaphore(%run_scoped3A : memref<!tpu.dma_semaphore, #tpu.memory_space<semaphore_mem>>) src(%dma_wait3A_28 : memref<79x128xi32, #tpu.memory_space<hbm>>) dst(%arg6 : memref<79x128xi32, #tpu.memory_space<vmem>>)
      tpu.yield
    }) : () -> ()
    %barrier3A = arith.constant 0 : index
    tpu.barrier barrier_id(%barrier3A)
    %scan3A = arith.constant 0 : i32
    %scan3A_3 = arith.constant 79 : i32
    %scan3A_4 = arith.addi %scan3A, %scan3A_3 : i32
    %scan3A_5 = arith.constant 1 : i32
    scf.for %scan3A_15 = %scan3A to %scan3A_4 step %scan3A_5  : i32 {
      %mul3A_16 = arith.constant 1 : i32
      %mul3A_17 = arith.muli %scan3A_15, %mul3A_16 : i32
      %add3A_18 = arith.constant 0 : i32
      %add3A_19 = arith.addi %add3A_18, %mul3A_17 : i32
      "tpu.region"() ({
        %run_scoped3A = tpu.sem_alloc : memref<!tpu.dma_semaphore, #tpu.memory_space<semaphore_mem>>
        %dma_start3A = arith.constant 0 : i32
        %dma_start3A_20 = tpu.memref_slice %arg6[%add3A_19, %dma_start3A] : memref<79x128xi32, #tpu.memory_space<vmem>> -> memref<1x128xi32, #tpu.memory_space<vmem>>
        %dma_start3A_21 = tpu.memref_squeeze %dma_start3A_20 : memref<1x128xi32, #tpu.memory_space<vmem>> -> memref<128xi32, #tpu.memory_space<vmem>>
        %dma_start3A_22 = arith.constant 0 : i32
        %dma_start3A_23 = arith.constant 0 : i32
        %dma_start3A_24 = tpu.memref_slice %arg8[%dma_start3A_22, %dma_start3A_23] : memref<10112x32xf32, #tpu.memory_space<vmem_shared>> -> memref<10112x32xf32, #tpu.memory_space<vmem_shared>>
        tpu.enqueue_indirect_dma source(%arg7 : memref<128x32xf32, #tpu.memory_space<vmem>>) target(%dma_start3A_24 : memref<10112x32xf32, #tpu.memory_space<vmem_shared>>) offsets(%dma_start3A_21 : memref<128xi32, #tpu.memory_space<vmem>>) semaphore(%run_scoped3A : memref<!tpu.dma_semaphore, #tpu.memory_space<semaphore_mem>>) {add = true}
        %dma_wait3A = arith.constant 0 : i32
        %dma_wait3A_25 = tpu.memref_slice %arg6[%add3A_19, %dma_wait3A] : memref<79x128xi32, #tpu.memory_space<vmem>> -> memref<1x128xi32, #tpu.memory_space<vmem>>
        %dma_wait3A_26 = tpu.memref_squeeze %dma_wait3A_25 : memref<1x128xi32, #tpu.memory_space<vmem>> -> memref<128xi32, #tpu.memory_space<vmem>>
        %dma_wait3A_27 = arith.constant 0 : i32
        %dma_wait3A_28 = arith.constant 0 : i32
        %dma_wait3A_29 = tpu.memref_slice %arg8[%dma_wait3A_27, %dma_wait3A_28] : memref<10112x32xf32, #tpu.memory_space<vmem_shared>> -> memref<10112x32xf32, #tpu.memory_space<vmem_shared>>
        tpu.wait_indirect_dma semaphore(%run_scoped3A : memref<!tpu.dma_semaphore, #tpu.memory_space<semaphore_mem>>) src(%arg7 : memref<128x32xf32, #tpu.memory_space<vmem>>) dst(%dma_wait3A_29 : memref<10112x32xf32, #tpu.memory_space<vmem_shared>>)
        tpu.yield
      }) : () -> ()
    }
    %scan3A_6 = arith.constant 79 : i32
    %barrier3A_7 = arith.constant 0 : index
    tpu.barrier barrier_id(%barrier3A_7)
    %mul3A_8 = arith.constant 632 : i32
    %mul3A_9 = arith.muli %arg1, %mul3A_8 : i32
    %mul3A_10 = arith.constant 10112 : i32
    %mul3A_11 = arith.muli %arg0, %mul3A_10 : i32
    %mul3A_12 = arith.constant 632 : i32
    %mul3A_13 = arith.muli %arg1, %mul3A_12 : i32
    %add3A_14 = arith.addi %mul3A_11, %mul3A_13 : i32
    "tpu.region"() ({
      %run_scoped3A = tpu.sem_alloc : memref<!tpu.dma_semaphore, #tpu.memory_space<semaphore_mem>>
      %dma_start3A = arith.constant 0 : i32
      %dma_start3A_15 = tpu.memref_slice %arg5[%add3A_14, %dma_start3A] : memref<20224x32xf32, #tpu.memory_space<hbm>> -> memref<632x32xf32, #tpu.memory_space<hbm>>
      %dma_start3A_16 = arith.constant 0 : i32
      %dma_start3A_17 = tpu.memref_slice %arg8[%mul3A_9, %dma_start3A_16] : memref<10112x32xf32, #tpu.memory_space<vmem_shared>> -> memref<632x32xf32, #tpu.memory_space<vmem_shared>>
      tpu.enqueue_dma source(%dma_start3A_17 : memref<632x32xf32, #tpu.memory_space<vmem_shared>>) target(%dma_start3A_15 : memref<632x32xf32, #tpu.memory_space<hbm>>) target_semaphore(%run_scoped3A : memref<!tpu.dma_semaphore, #tpu.memory_space<semaphore_mem>>)
      %dma_wait3A = arith.constant 0 : i32
      %dma_wait3A_18 = tpu.memref_slice %arg5[%add3A_14, %dma_wait3A] : memref<20224x32xf32, #tpu.memory_space<hbm>> -> memref<632x32xf32, #tpu.memory_space<hbm>>
      %dma_wait3A_19 = arith.constant 0 : i32
      %dma_wait3A_20 = tpu.memref_slice %arg8[%mul3A_9, %dma_wait3A_19] : memref<10112x32xf32, #tpu.memory_space<vmem_shared>> -> memref<632x32xf32, #tpu.memory_space<vmem_shared>>
      tpu.wait_dma2 semaphore(%run_scoped3A : memref<!tpu.dma_semaphore, #tpu.memory_space<semaphore_mem>>) src(%dma_wait3A_20 : memref<632x32xf32, #tpu.memory_space<vmem_shared>>) dst(%dma_wait3A_18 : memref<632x32xf32, #tpu.memory_space<hbm>>)
      tpu.yield
    }) : () -> ()
    return
  }
}

module attributes {stable_mosaic.version = 14 : i64} {
  func.func @_tc1_body(%arg0: i32, %arg1: memref<2048x128xf32, #tpu.memory_space<vmem>>, %arg2: memref<1x2048x32xf32, #tpu.memory_space<vmem>>, %arg3: memref<1x2048x32xf32, #tpu.memory_space<vmem>>, %arg4: memref<128x128xf32, #tpu.memory_space<vmem>>, %arg5: memref<2x2048x64xf32, #tpu.memory_space<vmem>>) attributes {dimension_semantics = [#tpu.dimension_semantics<arbitrary>], iteration_bounds = array<i64: 5>, scalar_prefetch = 0 : i64, scratch_operands = 0 : i64, tpu.core_type = #tpu.core_type<tc>, window_params = [{transform_indices = @transform_0, window_bounds = array<i64: 2048, 128>}, {transform_indices = @transform_1, window_bounds = array<i64: 1, 2048, 32>}, {transform_indices = @transform_2, window_bounds = array<i64: 1, 2048, 32>}, {pipeline_mode = #tpu.pipeline_mode<synchronous>, transform_indices = @transform_3, window_bounds = array<i64: 128, 128>}, {transform_indices = @transform_4, window_bounds = array<i64: 2, 2048, 64>}]} {
    %get3A = arith.constant 0 : index
    %get3A_0 = arith.constant 0 : index
    %get3A_1 = arith.constant 0 : index
    %get3A_2 = vector.load %arg2[%get3A, %get3A_0, %get3A_1] : memref<1x2048x32xf32, #tpu.memory_space<vmem>>, vector<1x2048x32xf32>
    %get3A_3 = vector.shape_cast %get3A_2 : vector<1x2048x32xf32> to vector<2048x32xf32>
    %slice3A = vector.extract_strided_slice %get3A_3 {offsets = [0, 0], sizes = [2048, 1], strides = [1, 1]} : vector<2048x32xf32> to vector<2048x1xf32>
    %get3A_4 = arith.constant 0 : index
    %get3A_5 = arith.constant 0 : index
    %get3A_6 = arith.constant 0 : index
    %get3A_7 = vector.load %arg3[%get3A_4, %get3A_5, %get3A_6] : memref<1x2048x32xf32, #tpu.memory_space<vmem>>, vector<1x2048x32xf32>
    %get3A_8 = vector.shape_cast %get3A_7 : vector<1x2048x32xf32> to vector<2048x32xf32>
    %slice3A_9 = vector.extract_strided_slice %get3A_8 {offsets = [0, 0], sizes = [2048, 1], strides = [1, 1]} : vector<2048x32xf32> to vector<2048x1xf32>
    %add3A = arith.addf %slice3A, %slice3A_9 : vector<2048x1xf32>
    %add3A_10 = arith.constant 1.000000e+00 : f32
    %add3A_11 = vector.broadcast %add3A_10 : f32 to vector<2048x1xf32>
    %add3A_12 = arith.addf %add3A, %add3A_11 : vector<2048x1xf32>
    %rsqrt3A = math.rsqrt %add3A_12 : vector<2048x1xf32>
    %get3A_13 = arith.constant 0 : index
    %get3A_14 = arith.constant 0 : index
    %get3A_15 = vector.load %arg1[%get3A_13, %get3A_14] : memref<2048x128xf32, #tpu.memory_space<vmem>>, vector<2048x128xf32>
    %get3A_16 = arith.constant 0 : index
    %get3A_17 = arith.constant 0 : index
    %get3A_18 = vector.load %arg4[%get3A_16, %get3A_17] : memref<128x128xf32, #tpu.memory_space<vmem>>, vector<128x128xf32>
    %dot_general3A = arith.constant dense<0.000000e+00> : vector<2048x128xf32>
    %dot_general3A_19 = tpu.matmul %get3A_15, %get3A_18, %dot_general3A {dimension_numbers = #tpu.dot_dimension_numbers<[1], [1], [0], [0], [0, 0, 1, 0], [], []>, transpose_lhs_hint = false} : vector<2048x128xf32>, vector<128x128xf32>, vector<2048x128xf32> -> vector<2048x128xf32>
    %iota3A = tpu.iota {dimensions = array<i32: 0>} : vector<2048x1xi32>
    %mul3A = arith.constant 2048 : i32
    %mul3A_20 = arith.muli %arg0, %mul3A : i32
    %add3A_21 = vector.broadcast %mul3A_20 : i32 to vector<2048x1xi32>
    %add3A_22 = arith.addi %iota3A, %add3A_21 : vector<2048x1xi32>
    %lt3A = arith.constant 10000 : i32
    %lt3A_23 = vector.broadcast %lt3A : i32 to vector<2048x1xi32>
    %lt3A_24 = arith.cmpi slt, %add3A_22, %lt3A_23 : vector<2048x1xi32>
    %mul3A_25 = vector.broadcast %rsqrt3A : vector<2048x1xf32> to vector<2048x128xf32>
    %mul3A_26 = arith.mulf %mul3A_25, %dot_general3A_19 : vector<2048x128xf32>
    %jit3A = arith.constant 0.000000e+00 : f32
    %broadcast_in_dim3A = vector.shape_cast %lt3A_24 : vector<2048x1xi1> to vector<2048x1xi1>
    %broadcast_in_dim3A_27 = vector.broadcast %broadcast_in_dim3A : vector<2048x1xi1> to vector<2048x128xi1>
    %broadcast_in_dim3A_28 = vector.broadcast %jit3A : f32 to vector<2048x128xf32>
    %select_n3A = arith.select %broadcast_in_dim3A_27, %mul3A_26, %broadcast_in_dim3A_28 : vector<2048x128xi1>, vector<2048x128xf32>
    %slice3A_29 = vector.extract_strided_slice %select_n3A {offsets = [0, 0], sizes = [2048, 64], strides = [1, 1]} : vector<2048x128xf32> to vector<2048x64xf32>
    %swap3A = arith.constant 0 : index
    %swap3A_30 = arith.constant 0 : index
    %swap3A_31 = arith.constant 0 : index
    %swap3A_32 = vector.load %arg5[%swap3A, %swap3A_30, %swap3A_31] : memref<2x2048x64xf32, #tpu.memory_space<vmem>>, vector<1x2048x64xf32>
    %swap3A_33 = vector.shape_cast %swap3A_32 : vector<1x2048x64xf32> to vector<2048x64xf32>
    %swap3A_34 = vector.shape_cast %slice3A_29 : vector<2048x64xf32> to vector<1x2048x64xf32>
    tpu.vector_store %arg5[%swap3A, %swap3A_30, %swap3A_31], %swap3A_34 {strides = array<i32>} : memref<2x2048x64xf32, #tpu.memory_space<vmem>>, vector<1x2048x64xf32>,
    %slice3A_35 = vector.extract_strided_slice %select_n3A {offsets = [0, 64], sizes = [2048, 64], strides = [1, 1]} : vector<2048x128xf32> to vector<2048x64xf32>
    %swap3A_36 = arith.constant 1 : index
    %swap3A_37 = arith.constant 0 : index
    %swap3A_38 = arith.constant 0 : index
    %swap3A_39 = vector.load %arg5[%swap3A_36, %swap3A_37, %swap3A_38] : memref<2x2048x64xf32, #tpu.memory_space<vmem>>, vector<1x2048x64xf32>
    %swap3A_40 = vector.shape_cast %swap3A_39 : vector<1x2048x64xf32> to vector<2048x64xf32>
    %swap3A_41 = vector.shape_cast %slice3A_35 : vector<2048x64xf32> to vector<1x2048x64xf32>
    tpu.vector_store %arg5[%swap3A_36, %swap3A_37, %swap3A_38], %swap3A_41 {strides = array<i32>} : memref<2x2048x64xf32, #tpu.memory_space<vmem>>, vector<1x2048x64xf32>,
    return
  }
  func.func @transform_0(%arg0: i32) -> (i32, i32) {
    %c0_i32 = arith.constant 0 : i32
    %c0_i32_0 = arith.constant 0 : i32
    return %arg0, %c0_i32 : i32, i32
  }
  func.func @transform_1(%arg0: i32) -> (i32, i32, i32) {
    %c0_i32 = arith.constant 0 : i32
    %c0_i32_0 = arith.constant 0 : i32
    %c0_i32_1 = arith.constant 0 : i32
    return %c0_i32, %arg0, %c0_i32_0 : i32, i32, i32
  }
  func.func @transform_2(%arg0: i32) -> (i32, i32, i32) {
    %c1_i32 = arith.constant 1 : i32
    %c0_i32 = arith.constant 0 : i32
    %c0_i32_0 = arith.constant 0 : i32
    return %c1_i32, %arg0, %c0_i32 : i32, i32, i32
  }
  func.func @transform_3(%arg0: i32) -> (i32, i32) {
    %c0_i32 = arith.constant 0 : i32
    %c0_i32_0 = arith.constant 0 : i32
    %c0_i32_1 = arith.constant 0 : i32
    return %c0_i32, %c0_i32_0 : i32, i32
  }
  func.func @transform_4(%arg0: i32) -> (i32, i32, i32) {
    %c0_i32 = arith.constant 0 : i32
    %c0_i32_0 = arith.constant 0 : i32
    %c0_i32_1 = arith.constant 0 : i32
    return %c0_i32, %arg0, %c0_i32_0 : i32, i32, i32
  }
}

module attributes {stable_mosaic.version = 14 : i64} {
  func.func @_tc2_body(%arg0: i32, %arg1: memref<1x2048x64xf32, #tpu.memory_space<vmem>>, %arg2: memref<1x2048x64xf32, #tpu.memory_space<vmem>>, %arg3: memref<1x2048x64xf32, #tpu.memory_space<vmem>>, %arg4: memref<1x2048x64xf32, #tpu.memory_space<vmem>>, %arg5: memref<1x2048x32xf32, #tpu.memory_space<vmem>>, %arg6: memref<1x2048x32xf32, #tpu.memory_space<vmem>>, %arg7: memref<1x128xf32, #tpu.memory_space<vmem>>, %arg8: memref<128x128xf32, #tpu.memory_space<vmem>>, %arg9: memref<2x2048x64xf32, #tpu.memory_space<vmem>>) attributes {dimension_semantics = [#tpu.dimension_semantics<arbitrary>], iteration_bounds = array<i64: 5>, scalar_prefetch = 0 : i64, scratch_operands = 0 : i64, tpu.core_type = #tpu.core_type<tc>, window_params = [{transform_indices = @transform_0, window_bounds = array<i64: 1, 2048, 64>}, {transform_indices = @transform_1, window_bounds = array<i64: 1, 2048, 64>}, {transform_indices = @transform_2, window_bounds = array<i64: 1, 2048, 64>}, {transform_indices = @transform_3, window_bounds = array<i64: 1, 2048, 64>}, {transform_indices = @transform_4, window_bounds = array<i64: 1, 2048, 32>}, {transform_indices = @transform_5, window_bounds = array<i64: 1, 2048, 32>}, {pipeline_mode = #tpu.pipeline_mode<synchronous>, transform_indices = @transform_6, window_bounds = array<i64: 1, 128>}, {pipeline_mode = #tpu.pipeline_mode<synchronous>, transform_indices = @transform_7, window_bounds = array<i64: 128, 128>}, {transform_indices = @transform_8, window_bounds = array<i64: 2, 2048, 64>}]} {
    %get3A = arith.constant 0 : index
    %get3A_0 = arith.constant 0 : index
    %get3A_1 = arith.constant 0 : index
    %get3A_2 = vector.load %arg5[%get3A, %get3A_0, %get3A_1] : memref<1x2048x32xf32, #tpu.memory_space<vmem>>, vector<1x2048x32xf32>
    %get3A_3 = vector.shape_cast %get3A_2 : vector<1x2048x32xf32> to vector<2048x32xf32>
    %slice3A = vector.extract_strided_slice %get3A_3 {offsets = [0, 0], sizes = [2048, 1], strides = [1, 1]} : vector<2048x32xf32> to vector<2048x1xf32>
    %get3A_4 = arith.constant 0 : index
    %get3A_5 = arith.constant 0 : index
    %get3A_6 = arith.constant 0 : index
    %get3A_7 = vector.load %arg6[%get3A_4, %get3A_5, %get3A_6] : memref<1x2048x32xf32, #tpu.memory_space<vmem>>, vector<1x2048x32xf32>
    %get3A_8 = vector.shape_cast %get3A_7 : vector<1x2048x32xf32> to vector<2048x32xf32>
    %slice3A_9 = vector.extract_strided_slice %get3A_8 {offsets = [0, 0], sizes = [2048, 1], strides = [1, 1]} : vector<2048x32xf32> to vector<2048x1xf32>
    %add3A = arith.addf %slice3A, %slice3A_9 : vector<2048x1xf32>
    %add3A_10 = arith.constant 1.000000e+00 : f32
    %add3A_11 = vector.broadcast %add3A_10 : f32 to vector<2048x1xf32>
    %add3A_12 = arith.addf %add3A, %add3A_11 : vector<2048x1xf32>
    %rsqrt3A = math.rsqrt %add3A_12 : vector<2048x1xf32>
    %get3A_13 = arith.constant 0 : index
    %get3A_14 = arith.constant 0 : index
    %get3A_15 = arith.constant 0 : index
    %get3A_16 = vector.load %arg1[%get3A_13, %get3A_14, %get3A_15] : memref<1x2048x64xf32, #tpu.memory_space<vmem>>, vector<1x2048x64xf32>
    %get3A_17 = vector.shape_cast %get3A_16 : vector<1x2048x64xf32> to vector<2048x64xf32>
    %get3A_18 = arith.constant 0 : index
    %get3A_19 = arith.constant 0 : index
    %get3A_20 = arith.constant 0 : index
    %get3A_21 = vector.load %arg3[%get3A_18, %get3A_19, %get3A_20] : memref<1x2048x64xf32, #tpu.memory_space<vmem>>, vector<1x2048x64xf32>
    %get3A_22 = vector.shape_cast %get3A_21 : vector<1x2048x64xf32> to vector<2048x64xf32>
    %add3A_23 = arith.addf %get3A_17, %get3A_22 : vector<2048x64xf32>
    %get3A_24 = arith.constant 0 : index
    %get3A_25 = arith.constant 0 : index
    %get3A_26 = arith.constant 0 : index
    %get3A_27 = vector.load %arg2[%get3A_24, %get3A_25, %get3A_26] : memref<1x2048x64xf32, #tpu.memory_space<vmem>>, vector<1x2048x64xf32>
    %get3A_28 = vector.shape_cast %get3A_27 : vector<1x2048x64xf32> to vector<2048x64xf32>
    %get3A_29 = arith.constant 0 : index
    %get3A_30 = arith.constant 0 : index
    %get3A_31 = arith.constant 0 : index
    %get3A_32 = vector.load %arg4[%get3A_29, %get3A_30, %get3A_31] : memref<1x2048x64xf32, #tpu.memory_space<vmem>>, vector<1x2048x64xf32>
    %get3A_33 = vector.shape_cast %get3A_32 : vector<1x2048x64xf32> to vector<2048x64xf32>
    %add3A_34 = arith.addf %get3A_28, %get3A_33 : vector<2048x64xf32>
    %concatenate3A = tpu.concatenate %add3A_23, %add3A_34 in 1 : vector<2048x64xf32>, vector<2048x64xf32> -> vector<2048x128xf32>
    %mul3A = vector.broadcast %rsqrt3A : vector<2048x1xf32> to vector<2048x128xf32>
    %mul3A_35 = arith.mulf %mul3A, %concatenate3A : vector<2048x128xf32>
    %get3A_36 = arith.constant 0 : index
    %get3A_37 = arith.constant 0 : index
    %get3A_38 = vector.load %arg7[%get3A_36, %get3A_37] : memref<1x128xf32, #tpu.memory_space<vmem>>, vector<1x128xf32>
    %add3A_39 = vector.broadcast %get3A_38 : vector<1x128xf32> to vector<2048x128xf32>
    %add3A_40 = arith.addf %mul3A_35, %add3A_39 : vector<2048x128xf32>
    %tanh3A = math.tanh %add3A_40 : vector<2048x128xf32>
    %get3A_41 = arith.constant 0 : index
    %get3A_42 = arith.constant 0 : index
    %get3A_43 = vector.load %arg8[%get3A_41, %get3A_42] : memref<128x128xf32, #tpu.memory_space<vmem>>, vector<128x128xf32>
    %dot_general3A = arith.constant dense<0.000000e+00> : vector<2048x128xf32>
    %dot_general3A_44 = tpu.matmul %tanh3A, %get3A_43, %dot_general3A {dimension_numbers = #tpu.dot_dimension_numbers<[1], [1], [0], [0], [0, 0, 1, 0], [], []>, transpose_lhs_hint = false} : vector<2048x128xf32>, vector<128x128xf32>, vector<2048x128xf32> -> vector<2048x128xf32>
    %mul3A_45 = vector.broadcast %rsqrt3A : vector<2048x1xf32> to vector<2048x128xf32>
    %mul3A_46 = arith.mulf %mul3A_45, %dot_general3A_44 : vector<2048x128xf32>
    %iota3A = tpu.iota {dimensions = array<i32: 0>} : vector<2048x1xi32>
    %mul3A_47 = arith.constant 2048 : i32
    %mul3A_48 = arith.muli %arg0, %mul3A_47 : i32
    %add3A_49 = vector.broadcast %mul3A_48 : i32 to vector<2048x1xi32>
    %add3A_50 = arith.addi %iota3A, %add3A_49 : vector<2048x1xi32>
    %lt3A = arith.constant 10000 : i32
    %lt3A_51 = vector.broadcast %lt3A : i32 to vector<2048x1xi32>
    %lt3A_52 = arith.cmpi slt, %add3A_50, %lt3A_51 : vector<2048x1xi32>
    %jit3A = arith.constant 0.000000e+00 : f32
    %broadcast_in_dim3A = vector.shape_cast %lt3A_52 : vector<2048x1xi1> to vector<2048x1xi1>
    %broadcast_in_dim3A_53 = vector.broadcast %broadcast_in_dim3A : vector<2048x1xi1> to vector<2048x128xi1>
    %broadcast_in_dim3A_54 = vector.broadcast %jit3A : f32 to vector<2048x128xf32>
    %select_n3A = arith.select %broadcast_in_dim3A_53, %mul3A_46, %broadcast_in_dim3A_54 : vector<2048x128xi1>, vector<2048x128xf32>
    %slice3A_55 = vector.extract_strided_slice %select_n3A {offsets = [0, 0], sizes = [2048, 64], strides = [1, 1]} : vector<2048x128xf32> to vector<2048x64xf32>
    %swap3A = arith.constant 0 : index
    %swap3A_56 = arith.constant 0 : index
    %swap3A_57 = arith.constant 0 : index
    %swap3A_58 = vector.load %arg9[%swap3A, %swap3A_56, %swap3A_57] : memref<2x2048x64xf32, #tpu.memory_space<vmem>>, vector<1x2048x64xf32>
    %swap3A_59 = vector.shape_cast %swap3A_58 : vector<1x2048x64xf32> to vector<2048x64xf32>
    %swap3A_60 = vector.shape_cast %slice3A_55 : vector<2048x64xf32> to vector<1x2048x64xf32>
    tpu.vector_store %arg9[%swap3A, %swap3A_56, %swap3A_57], %swap3A_60 {strides = array<i32>} : memref<2x2048x64xf32, #tpu.memory_space<vmem>>, vector<1x2048x64xf32>,
    %slice3A_61 = vector.extract_strided_slice %select_n3A {offsets = [0, 64], sizes = [2048, 64], strides = [1, 1]} : vector<2048x128xf32> to vector<2048x64xf32>
    %swap3A_62 = arith.constant 1 : index
    %swap3A_63 = arith.constant 0 : index
    %swap3A_64 = arith.constant 0 : index
    %swap3A_65 = vector.load %arg9[%swap3A_62, %swap3A_63, %swap3A_64] : memref<2x2048x64xf32, #tpu.memory_space<vmem>>, vector<1x2048x64xf32>
    %swap3A_66 = vector.shape_cast %swap3A_65 : vector<1x2048x64xf32> to vector<2048x64xf32>
    %swap3A_67 = vector.shape_cast %slice3A_61 : vector<2048x64xf32> to vector<1x2048x64xf32>
    tpu.vector_store %arg9[%swap3A_62, %swap3A_63, %swap3A_64], %swap3A_67 {strides = array<i32>} : memref<2x2048x64xf32, #tpu.memory_space<vmem>>, vector<1x2048x64xf32>,
    return
  }
  func.func @transform_0(%arg0: i32) -> (i32, i32, i32) {
    %c0_i32 = arith.constant 0 : i32
    %c0_i32_0 = arith.constant 0 : i32
    %c0_i32_1 = arith.constant 0 : i32
    return %c0_i32, %arg0, %c0_i32_0 : i32, i32, i32
  }
  func.func @transform_1(%arg0: i32) -> (i32, i32, i32) {
    %c1_i32 = arith.constant 1 : i32
    %c0_i32 = arith.constant 0 : i32
    %c0_i32_0 = arith.constant 0 : i32
    return %c1_i32, %arg0, %c0_i32 : i32, i32, i32
  }
  func.func @transform_2(%arg0: i32) -> (i32, i32, i32) {
    %c0_i32 = arith.constant 0 : i32
    %c0_i32_0 = arith.constant 0 : i32
    %c0_i32_1 = arith.constant 0 : i32
    return %c0_i32, %arg0, %c0_i32_0 : i32, i32, i32
  }
  func.func @transform_3(%arg0: i32) -> (i32, i32, i32) {
    %c1_i32 = arith.constant 1 : i32
    %c0_i32 = arith.constant 0 : i32
    %c0_i32_0 = arith.constant 0 : i32
    return %c1_i32, %arg0, %c0_i32 : i32, i32, i32
  }
  func.func @transform_4(%arg0: i32) -> (i32, i32, i32) {
    %c0_i32 = arith.constant 0 : i32
    %c0_i32_0 = arith.constant 0 : i32
    %c0_i32_1 = arith.constant 0 : i32
    return %c0_i32, %arg0, %c0_i32_0 : i32, i32, i32
  }
  func.func @transform_5(%arg0: i32) -> (i32, i32, i32) {
    %c1_i32 = arith.constant 1 : i32
    %c0_i32 = arith.constant 0 : i32
    %c0_i32_0 = arith.constant 0 : i32
    return %c1_i32, %arg0, %c0_i32 : i32, i32, i32
  }
  func.func @transform_6(%arg0: i32) -> (i32, i32) {
    %c0_i32 = arith.constant 0 : i32
    %c0_i32_0 = arith.constant 0 : i32
    %c0_i32_1 = arith.constant 0 : i32
    return %c0_i32, %c0_i32_0 : i32, i32
  }
  func.func @transform_7(%arg0: i32) -> (i32, i32) {
    %c0_i32 = arith.constant 0 : i32
    %c0_i32_0 = arith.constant 0 : i32
    %c0_i32_1 = arith.constant 0 : i32
    return %c0_i32, %c0_i32_0 : i32, i32
  }
  func.func @transform_8(%arg0: i32) -> (i32, i32, i32) {
    %c0_i32 = arith.constant 0 : i32
    %c0_i32_0 = arith.constant 0 : i32
    %c0_i32_1 = arith.constant 0 : i32
    return %c0_i32, %arg0, %c0_i32_0 : i32, i32, i32
  }
}

module attributes {stable_mosaic.version = 14 : i64} {
  func.func @_tc3_body(%arg0: i32, %arg1: memref<1x2048x64xf32, #tpu.memory_space<vmem>>, %arg2: memref<1x2048x64xf32, #tpu.memory_space<vmem>>, %arg3: memref<1x2048x64xf32, #tpu.memory_space<vmem>>, %arg4: memref<1x2048x64xf32, #tpu.memory_space<vmem>>, %arg5: memref<1x2048x32xf32, #tpu.memory_space<vmem>>, %arg6: memref<1x2048x32xf32, #tpu.memory_space<vmem>>, %arg7: memref<1x128xf32, #tpu.memory_space<vmem>>, %arg8: memref<128x128xf32, #tpu.memory_space<vmem>>, %arg9: memref<1x128xf32, #tpu.memory_space<vmem>>, %arg10: memref<2048x128xf32, #tpu.memory_space<vmem>>) attributes {dimension_semantics = [#tpu.dimension_semantics<arbitrary>], iteration_bounds = array<i64: 5>, scalar_prefetch = 0 : i64, scratch_operands = 0 : i64, tpu.core_type = #tpu.core_type<tc>, window_params = [{transform_indices = @transform_0, window_bounds = array<i64: 1, 2048, 64>}, {transform_indices = @transform_1, window_bounds = array<i64: 1, 2048, 64>}, {transform_indices = @transform_2, window_bounds = array<i64: 1, 2048, 64>}, {transform_indices = @transform_3, window_bounds = array<i64: 1, 2048, 64>}, {transform_indices = @transform_4, window_bounds = array<i64: 1, 2048, 32>}, {transform_indices = @transform_5, window_bounds = array<i64: 1, 2048, 32>}, {pipeline_mode = #tpu.pipeline_mode<synchronous>, transform_indices = @transform_6, window_bounds = array<i64: 1, 128>}, {pipeline_mode = #tpu.pipeline_mode<synchronous>, transform_indices = @transform_7, window_bounds = array<i64: 128, 128>}, {pipeline_mode = #tpu.pipeline_mode<synchronous>, transform_indices = @transform_8, window_bounds = array<i64: 1, 128>}, {transform_indices = @transform_9, window_bounds = array<i64: 2048, 128>}]} {
    %get3A = arith.constant 0 : index
    %get3A_0 = arith.constant 0 : index
    %get3A_1 = arith.constant 0 : index
    %get3A_2 = vector.load %arg5[%get3A, %get3A_0, %get3A_1] : memref<1x2048x32xf32, #tpu.memory_space<vmem>>, vector<1x2048x32xf32>
    %get3A_3 = vector.shape_cast %get3A_2 : vector<1x2048x32xf32> to vector<2048x32xf32>
    %slice3A = vector.extract_strided_slice %get3A_3 {offsets = [0, 0], sizes = [2048, 1], strides = [1, 1]} : vector<2048x32xf32> to vector<2048x1xf32>
    %get3A_4 = arith.constant 0 : index
    %get3A_5 = arith.constant 0 : index
    %get3A_6 = arith.constant 0 : index
    %get3A_7 = vector.load %arg6[%get3A_4, %get3A_5, %get3A_6] : memref<1x2048x32xf32, #tpu.memory_space<vmem>>, vector<1x2048x32xf32>
    %get3A_8 = vector.shape_cast %get3A_7 : vector<1x2048x32xf32> to vector<2048x32xf32>
    %slice3A_9 = vector.extract_strided_slice %get3A_8 {offsets = [0, 0], sizes = [2048, 1], strides = [1, 1]} : vector<2048x32xf32> to vector<2048x1xf32>
    %add3A = arith.addf %slice3A, %slice3A_9 : vector<2048x1xf32>
    %add3A_10 = arith.constant 1.000000e+00 : f32
    %add3A_11 = vector.broadcast %add3A_10 : f32 to vector<2048x1xf32>
    %add3A_12 = arith.addf %add3A, %add3A_11 : vector<2048x1xf32>
    %rsqrt3A = math.rsqrt %add3A_12 : vector<2048x1xf32>
    %get3A_13 = arith.constant 0 : index
    %get3A_14 = arith.constant 0 : index
    %get3A_15 = arith.constant 0 : index
    %get3A_16 = vector.load %arg1[%get3A_13, %get3A_14, %get3A_15] : memref<1x2048x64xf32, #tpu.memory_space<vmem>>, vector<1x2048x64xf32>
    %get3A_17 = vector.shape_cast %get3A_16 : vector<1x2048x64xf32> to vector<2048x64xf32>
    %get3A_18 = arith.constant 0 : index
    %get3A_19 = arith.constant 0 : index
    %get3A_20 = arith.constant 0 : index
    %get3A_21 = vector.load %arg3[%get3A_18, %get3A_19, %get3A_20] : memref<1x2048x64xf32, #tpu.memory_space<vmem>>, vector<1x2048x64xf32>
    %get3A_22 = vector.shape_cast %get3A_21 : vector<1x2048x64xf32> to vector<2048x64xf32>
    %add3A_23 = arith.addf %get3A_17, %get3A_22 : vector<2048x64xf32>
    %get3A_24 = arith.constant 0 : index
    %get3A_25 = arith.constant 0 : index
    %get3A_26 = arith.constant 0 : index
    %get3A_27 = vector.load %arg2[%get3A_24, %get3A_25, %get3A_26] : memref<1x2048x64xf32, #tpu.memory_space<vmem>>, vector<1x2048x64xf32>
    %get3A_28 = vector.shape_cast %get3A_27 : vector<1x2048x64xf32> to vector<2048x64xf32>
    %get3A_29 = arith.constant 0 : index
    %get3A_30 = arith.constant 0 : index
    %get3A_31 = arith.constant 0 : index
    %get3A_32 = vector.load %arg4[%get3A_29, %get3A_30, %get3A_31] : memref<1x2048x64xf32, #tpu.memory_space<vmem>>, vector<1x2048x64xf32>
    %get3A_33 = vector.shape_cast %get3A_32 : vector<1x2048x64xf32> to vector<2048x64xf32>
    %add3A_34 = arith.addf %get3A_28, %get3A_33 : vector<2048x64xf32>
    %concatenate3A = tpu.concatenate %add3A_23, %add3A_34 in 1 : vector<2048x64xf32>, vector<2048x64xf32> -> vector<2048x128xf32>
    %mul3A = vector.broadcast %rsqrt3A : vector<2048x1xf32> to vector<2048x128xf32>
    %mul3A_35 = arith.mulf %mul3A, %concatenate3A : vector<2048x128xf32>
    %get3A_36 = arith.constant 0 : index
    %get3A_37 = arith.constant 0 : index
    %get3A_38 = vector.load %arg7[%get3A_36, %get3A_37] : memref<1x128xf32, #tpu.memory_space<vmem>>, vector<1x128xf32>
    %add3A_39 = vector.broadcast %get3A_38 : vector<1x128xf32> to vector<2048x128xf32>
    %add3A_40 = arith.addf %mul3A_35, %add3A_39 : vector<2048x128xf32>
    %tanh3A = math.tanh %add3A_40 : vector<2048x128xf32>
    %get3A_41 = arith.constant 0 : index
    %get3A_42 = arith.constant 0 : index
    %get3A_43 = vector.load %arg8[%get3A_41, %get3A_42] : memref<128x128xf32, #tpu.memory_space<vmem>>, vector<128x128xf32>
    %dot_general3A = arith.constant dense<0.000000e+00> : vector<2048x128xf32>
    %dot_general3A_44 = tpu.matmul %tanh3A, %get3A_43, %dot_general3A {dimension_numbers = #tpu.dot_dimension_numbers<[1], [1], [0], [0], [0, 0, 1, 0], [], []>, transpose_lhs_hint = false} : vector<2048x128xf32>, vector<128x128xf32>, vector<2048x128xf32> -> vector<2048x128xf32>
    %get3A_45 = arith.constant 0 : index
    %get3A_46 = arith.constant 0 : index
    %get3A_47 = vector.load %arg9[%get3A_45, %get3A_46] : memref<1x128xf32, #tpu.memory_space<vmem>>, vector<1x128xf32>
    %add3A_48 = vector.broadcast %get3A_47 : vector<1x128xf32> to vector<2048x128xf32>
    %add3A_49 = arith.addf %dot_general3A_44, %add3A_48 : vector<2048x128xf32>
    %logistic3A = arith.negf %add3A_49 : vector<2048x128xf32>
    %logistic3A_50 = math.exp %logistic3A : vector<2048x128xf32>
    %logistic3A_51 = arith.constant 1.000000e+00 : f32
    %logistic3A_52 = vector.broadcast %logistic3A_51 : f32 to vector<2048x128xf32>
    %logistic3A_53 = arith.addf %logistic3A_52, %logistic3A_50 : vector<2048x128xf32>
    %logistic3A_54 = arith.divf %logistic3A_52, %logistic3A_53 : vector<2048x128xf32>
    %mul3A_55 = arith.constant 8.000000e-01 : f32
    %mul3A_56 = vector.broadcast %mul3A_55 : f32 to vector<2048x128xf32>
    %mul3A_57 = arith.mulf %logistic3A_54, %mul3A_56 : vector<2048x128xf32>
    %add3A_58 = arith.constant 1.000000e-01 : f32
    %add3A_59 = vector.broadcast %add3A_58 : f32 to vector<2048x128xf32>
    %add3A_60 = arith.addf %mul3A_57, %add3A_59 : vector<2048x128xf32>
    %swap3A = arith.constant 0 : index
    %swap3A_61 = arith.constant 0 : index
    %swap3A_62 = vector.load %arg10[%swap3A, %swap3A_61] : memref<2048x128xf32, #tpu.memory_space<vmem>>, vector<2048x128xf32>
    tpu.vector_store %arg10[%swap3A, %swap3A_61], %add3A_60 {strides = array<i32>} : memref<2048x128xf32, #tpu.memory_space<vmem>>, vector<2048x128xf32>,
    return
  }
  func.func @transform_0(%arg0: i32) -> (i32, i32, i32) {
    %c0_i32 = arith.constant 0 : i32
    %c0_i32_0 = arith.constant 0 : i32
    %c0_i32_1 = arith.constant 0 : i32
    return %c0_i32, %arg0, %c0_i32_0 : i32, i32, i32
  }
  func.func @transform_1(%arg0: i32) -> (i32, i32, i32) {
    %c1_i32 = arith.constant 1 : i32
    %c0_i32 = arith.constant 0 : i32
    %c0_i32_0 = arith.constant 0 : i32
    return %c1_i32, %arg0, %c0_i32 : i32, i32, i32
  }
  func.func @transform_2(%arg0: i32) -> (i32, i32, i32) {
    %c0_i32 = arith.constant 0 : i32
    %c0_i32_0 = arith.constant 0 : i32
    %c0_i32_1 = arith.constant 0 : i32
    return %c0_i32, %arg0, %c0_i32_0 : i32, i32, i32
  }
  func.func @transform_3(%arg0: i32) -> (i32, i32, i32) {
    %c1_i32 = arith.constant 1 : i32
    %c0_i32 = arith.constant 0 : i32
    %c0_i32_0 = arith.constant 0 : i32
    return %c1_i32, %arg0, %c0_i32 : i32, i32, i32
  }
  func.func @transform_4(%arg0: i32) -> (i32, i32, i32) {
    %c0_i32 = arith.constant 0 : i32
    %c0_i32_0 = arith.constant 0 : i32
    %c0_i32_1 = arith.constant 0 : i32
    return %c0_i32, %arg0, %c0_i32_0 : i32, i32, i32
  }
  func.func @transform_5(%arg0: i32) -> (i32, i32, i32) {
    %c1_i32 = arith.constant 1 : i32
    %c0_i32 = arith.constant 0 : i32
    %c0_i32_0 = arith.constant 0 : i32
    return %c1_i32, %arg0, %c0_i32 : i32, i32, i32
  }
  func.func @transform_6(%arg0: i32) -> (i32, i32) {
    %c0_i32 = arith.constant 0 : i32
    %c0_i32_0 = arith.constant 0 : i32
    %c0_i32_1 = arith.constant 0 : i32
    return %c0_i32, %c0_i32_0 : i32, i32
  }
  func.func @transform_7(%arg0: i32) -> (i32, i32) {
    %c0_i32 = arith.constant 0 : i32
    %c0_i32_0 = arith.constant 0 : i32
    %c0_i32_1 = arith.constant 0 : i32
    return %c0_i32, %c0_i32_0 : i32, i32
  }
  func.func @transform_8(%arg0: i32) -> (i32, i32) {
    %c0_i32 = arith.constant 0 : i32
    %c0_i32_0 = arith.constant 0 : i32
    %c0_i32_1 = arith.constant 0 : i32
    return %c0_i32, %c0_i32_0 : i32, i32
  }
  func.func @transform_9(%arg0: i32) -> (i32, i32) {
    %c0_i32 = arith.constant 0 : i32
    %c0_i32_0 = arith.constant 0 : i32
    return %arg0, %c0_i32 : i32, i32
  }
}

</mosaic_0001>

<sc_bundles>
// kernel: kernel.11.cloned.1.call-start
scs
__scs_entry_jumppad:
0x0: {  	(pc) =	sbr.rel $0x88, $3  }
0x1: {  	(tag) =	ssettag $0x0;
	lr =	simm.s32 $0x1  }
0x2: {  	[smem:$0x3F99] =	sst lr;
	_ =	strace $0xD0000000  }
0x3: {  	_ = 	snop  }
0x4: {  	_ = 	snop  }
0x5: {  	_ = 	snop  }
0x6: {  	_ = 	snop  }
0x7: {  	_ = 	snop  }
__scs_overlays_trampoline_lowered:
0x8: {  	[smem:$0x3FA8] =	sst s0  }
0x9: {  	[smem:$0x3FA9] =	sst s1  }
0xa: {  	[smem:$0x3FAA] =	sst s2  }
0xb: {  	[smem:$0x3FAB] =	sst s3  }
0xc: {  	[smem:$0x3FAC] =	sst s4  }
0xd: {  	[smem:$0x3FAD] =	sst s5  }
0xe: {  	[smem:$0x3FAE] =	sst s6  }
0xf: {  	[smem:$0x3FAF] =	sst s7  }
0x10: {  	[smem:$0x3FB0] =	sst s8  }
0x11: {  	[smem:$0x3FB1] =	sst s9;
	s0 =	simm.s32 @!p0 $0x0  }
0x12: {  	s1 =	sld [smem:$0x3F97];
	s0 =	simm.s32 @p0 $0x1  }
0x13: {  	[smem:$0x3FB2] =	sst s0;
	s0 =	simm.s32 @!p1 $0x0  }
0x14: {  	s2 =	sld [smem:$0x3F96];
	s0 =	simm.s32 @p1 $0x1  }
0x15: {  	[smem:$0x3FB3] =	sst s0;
	s0 =	simm.s32 @!p2 $0x0  }
0x16: {  	s3 =	sld [smem:$0x3FDB];
	s0 =	simm.s32 @p2 $0x1  }
0x17: {  	s4 =	simm.s32 $0x1BF5;
	[smem:$0x3FB5] =	sst s0  }
0x18: {  	s0 =	sld [smem:$0x3F98];
	_ =	swait.ge [sflag:s4], $0x0  }
0x19: {  	s7 =	sld [smem:$0x3F99]  }
0x1a: {  	s8 =	sadd.s32 $0xFFFFE003, lr  }
0x1b: {  	s9 =	sadd.s32 $0xFFFFFEF7, lr;
	s5 =	simm.s32 $0xFFFFFFFF;
	p2 =	slt.u32 s8, $0xFFFFF086  }
0x1c: {  	p1 =	slt.u32 s9, $0xF7A;
	s5 =	simm.s32 @!p2 $0x0  }
0x1d: {  	s5 =	simm.s32 @p1 $0x1;
	p0 =	seq.s32 s7, s2  }
0x1e: {  	s7 =	smul.u32 @!p0 $0xF7A, s2;
	p2 =	seq.s32 @!p0 s5, $0x0  }
0x1f: {  	s9 =	smul.u32 $0xF7A, s1;
	s8 =	simm.s32 @!p0 $0x1BF5;
	p2 =	por !p2, p0  }
0x20: {  	[sflag:s8] =	ssyncset.s32 @!p0 $0xFFFFF086;
	s6 =	sadd.s32 @!p0 s3, s7;
	s7 =	simm.s32 @!p0 $0x108  }
0x21: {  	s3 =	sadd.s32 s3, s9;
	s6 =	sadd.s32 @!p0 $0x88, s6;
	s7 =	simm.s32 @p2 $0x1082  }
0x22: {  	[simem:s7], [sflag:s8] =	dma.local @!p0 [hbm:s6], $0xF7A  }
0x23: {  	s9 =	sor.u32 $0xD0000000, s2;
	s6 =	simm.s32 $0x108;
	_ =	swait.ge @!p0 [sflag:s8], $0x0  }
0x24: {  	s3 =	sadd.s32 $0x88, s3;
	s6 =	simm.s32 @!p1 $0x1082;
	[sflag:s4] =	ssyncset.s32 $0xFFFFF086  }
0x25: {  	[simem:s6], [sflag:s4] =	dma.local [hbm:s3], $0xF7A  }
0x26: {  	[smem:$0x3F99] =	sst s1;
	(tag) =	ssettag s2;
	_ =	strace s9  }
0x27: {  	s1 =	sld [smem:$0x3FA9]  }
0x28: {  	s2 =	sld [smem:$0x3FAA]  }
0x29: {  	s4 =	sld [smem:$0x3FAC]  }
0x2a: {  	p0 =	seq.s32 s5, $0x0;
	s5 =	sld [smem:$0x3FAD]  }
0x2b: {  	s6 =	sld [smem:$0x3FAE]  }
0x2c: {  	s7 =	sld [smem:$0x3FAF]  }
0x2d: {  	s3 =	simm.s32 $0x108;
	s8 =	sld [smem:$0x3FB0]  }
0x2e: {  	s3 =	simm.s32 @!p0 $0x1082;
	s9 =	sld [smem:$0x3FB1]  }
0x2f: {  	lr =	sadd.s32 s0, s3;
	s0 =	sld [smem:$0x3FA8]  }
0x30: {  	s3 =	sld [smem:$0x3FAB]  }
0x31: {  	[smem:$0x3FB4] =	sst s10  }
0x32: {  	s10 =	sld [smem:$0x3FB2];
	_ =	sdelay $0x3  }
0x33: {  	p0 =	seq.s32 s10, $0x1;
	s10 =	sld [smem:$0x3FB4];
	_ =	sdelay $0x3  }
0x34: {  	[smem:$0x3FB4] =	sst s10  }
0x35: {  	s10 =	sld [smem:$0x3FB3];
	_ =	sdelay $0x3  }
0x36: {  	p1 =	seq.s32 s10, $0x1;
	s10 =	sld [smem:$0x3FB4];
	_ =	sdelay $0x3  }
0x37: {  	[smem:$0x3FB4] =	sst s10  }
0x38: {  	s10 =	sld [smem:$0x3FB5]  }
0x39: {  	_ = 	snop;
	(pc) =	sbr.ind lr, $3  }
0x3a: {  	_ = 	snop  }
0x3b: {  	_ = 	snop  }
0x3c: {  	p2 =	seq.s32 s10, $0x1;
	s10 =	sld [smem:$0x3FB4]  }
0x3d: {  	_ =	shalt  }
0x3e: {  	_ =	shalt  }
0x3f: {  	_ =	shalt  }
0x40: {  	_ =	shalt  }
0x41: {  	_ =	shalt  }
0x42: {  	_ =	shalt  }
0x43: {  	_ =	shalt  }
0x44: {  	_ =	shalt  }
0x45: {  	_ =	shalt  }
0x46: {  	_ =	shalt  }
0x47: {  	_ =	shalt  }
0x48: {  	_ =	shalt  }
0x49: {  	_ =	shalt  }
0x4a: {  	_ =	shalt  }
0x4b: {  	_ =	shalt  }
0x4c: {  	_ =	shalt  }
0x4d: {  	_ =	shalt  }
0x4e: {  	_ =	shalt  }
0x4f: {  	_ =	shalt  }
0x50: {  	_ =	shalt  }
0x51: {  	_ =	shalt  }
0x52: {  	_ =	shalt  }
0x53: {  	_ =	shalt  }
0x54: {  	_ =	shalt  }
0x55: {  	_ =	shalt  }
0x56: {  	_ =	shalt  }
0x57: {  	_ =	shalt  }
0x58: {  	_ =	shalt  }
0x59: {  	_ =	shalt  }
0x5a: {  	_ =	shalt  }
0x5b: {  	_ =	shalt  }
0x5c: {  	_ =	shalt  }
0x5d: {  	_ =	shalt  }
0x5e: {  	_ =	shalt  }
0x5f: {  	_ =	shalt  }
0x60: {  	_ =	shalt  }
0x61: {  	_ =	shalt  }
0x62: {  	_ =	shalt  }
0x63: {  	_ =	shalt  }
0x64: {  	_ =	shalt  }
0x65: {  	_ =	shalt  }
0x66: {  	_ =	shalt  }
0x67: {  	_ =	shalt  }
0x68: {  	_ =	shalt  }
0x69: {  	_ =	shalt  }
0x6a: {  	_ =	shalt  }
0x6b: {  	_ =	shalt  }
0x6c: {  	_ =	shalt  }
0x6d: {  	_ =	shalt  }
0x6e: {  	_ =	shalt  }
0x6f: {  	_ =	shalt  }
0x70: {  	_ =	shalt  }
0x71: {  	_ =	shalt  }
0x72: {  	_ =	shalt  }
0x73: {  	_ =	shalt  }
0x74: {  	_ =	shalt  }
0x75: {  	_ =	shalt  }
0x76: {  	_ =	shalt  }
0x77: {  	_ =	shalt  }
0x78: {  	_ =	shalt  }
0x79: {  	_ =	shalt  }
0x7a: {  	_ =	shalt  }
0x7b: {  	_ =	shalt  }
0x7c: {  	_ =	shalt  }
0x7d: {  	_ =	shalt  }
0x7e: {  	_ =	shalt  }
0x7f: {  	_ =	shalt  }
0x80: {  	_ =	shalt  }
0x81: {  	_ =	shalt  }
0x82: {  	_ =	shalt  }
0x83: {  	_ =	shalt  }
0x84: {  	_ =	shalt  }
0x85: {  	_ =	shalt  }
0x86: {  	_ =	shalt  }
0x87: {  	_ =	shalt  }
.Lfunc_end0:
.L_simem_size_0:
called_computation.1_lowered:
.L_overlay_start_0:
0x88: {  	s2 =	sld [smem:$0x3FD9]  }
0x89: {  	s3 =	sld [smem:$0x3FFE];
	_ =	sdelay $0x1  }
0x8a: {  	s1 =	srdreg.scid  }
0x8b: {  	s0 =	sand.u32 $0x1, s1  }
0x8c: {  	s17 =	sshll.u32 s0, $0xA;
	s2 =	sadd.s32 s3, s2  }
0x8d: {  	s2 =	sadd.s32 s2, s17  }
0x8e: {  	[smem:$0x3FC0] =	sst s2  }
0x8f: {  	_ = 	snop  }
0x90: {  	s2 =	sld [smem:$0x3FD0];
	(tm) =	ssettm $0x1  }
0x91: {  	s18 =	sld [smem:$0x3FFB];
	_ =	sdelay $0x3  }
0x92: {  	_ =	strace s18  }
0x93: {  	s3 =	sld [smem:$0x3FFC];
	_ =	sdelay $0x3  }
0x94: {  	_ =	strace s3  }
0x95: {  	s3 =	sld [smem:$0x3FFD];
	_ =	sdelay $0x3  }
0x96: {  	_ =	strace s3  }
0x97: {  	_ =	strace $0x8FFFFFFF  }
0x98: {  	s19 =	sld [smem:$0x3FDB];
	_ =	sdelay $0x1  }
0x99: {  	s4 =	simm.s32 $_scs_section_size  }
0x9a: {  	s5 =	simm.s32 $_size__tile_overlayer_lowered;
	s6 =	simm.s32 $_tile_overlayer_lowered  }
0x9b: {  	s22 =	simm.s32 $0x1BFF;
	s21 =	sshll.u32 s6, $0x1;
	s3 =	sadd.s32 s4, s19  }
0x9c: {  	s7 =	simm.s32 $0x0;
	s20 =	sshll.u32 s5, $0x1;
	s5 =	sadd.s32 s21, s3  }
0x9d: {  	[timem:s7], [sflag:s22] =	dma.local [hbm:s5], s20  }
0x9e: {  	_ =	swait.ge [sflag:s22], s20  }
0x9f: {  	s4 =	ssub.s32 $0x0, s20;
	[sflag:s22] =	ssyncset.done $0x0  }
0xa0: {  	[sflag:s22] =	ssyncadd.s32 s4;
	_ =	sdelay $0x1  }
0xa1: {  	s23 =	simm.s32 $0x1B8B  }
0xa2: {  	_ =	swait.ge [sflag:s23], $0x1  }
0xa3: {  	[sflag:s23] =	ssyncset.done $0x0  }
0xa4: {  	s25 =	simm.s32 $0x1B8E;
	s24 =	sld [smem:$0x3FFE];
	[sflag:s23] =	ssyncadd.s32 $0xFFFFFFFF  }
0xa5: {  	s26 =	simm.s32 $execute0_lowered;
	[smem:$0x3FD2] =	sst s25  }
0xa6: {  	s5 =	sshll.u32 s26, $0x1;
	_ =	strace $0x80000049;
	[dreg:$0x1] =	wrdreg $0xFFFFFFFF  }
0xa7: {  	s28 =	simm.s32 $_size_execute0_lowered;
	s3 =	sadd.s32 s3, s5;
	[dreg:$0x0] =	wrdreg $0x0  }
0xa8: {  	s5 =	sshll.u32 s28, $0x1;
	[dreg:$0x2] =	wrdreg s3  }
0xa9: {  	[dreg:$0x3] =	wrdreg s5  }
0xaa: {  	[dreg:$0x4] =	wrdreg $0xC0  }
0xab: {  	_ =	task [dreg:s7], $0x5FFFF  }
0xac: {  	[dreg:$0x1] =	wrdreg $0xFFFFFFFF  }
0xad: {  	[dreg:$0x0] =	wrdreg $0x60  }
0xae: {  	[dreg:$0x2] =	wrdreg s24  }
0xaf: {  	[dreg:$0x3] =	wrdreg s2  }
0xb0: {  	[dreg:$0x4] =	wrdreg $0x120000  }
0xb1: {  	[dreg:$0x5] =	wrdreg $0x9  }
0xb2: {  	_ =	task.clear_ibuf [dreg:s7], $0x6FFFF;
	_ =	strace $0x90000049  }
0xb3: {  	s29 =	simm.s32 $0x9;
	_ =	strace $0x8000004B  }
0xb4: {  	_ =	swait.ge [sflag:s29], $0x1  }
0xb5: {  	[sflag:s29] =	ssyncadd.s32 $0xFFFFFFFF  }
0xb6: {  	_ =	strace $0x9000004B  }
0xb7: {  	_ =	sfence  }
0xb8: {  	s30 =	sld [smem:$0x0];
	_ =	sdelay $0x2  }
0xb9: {  	s31 =	sshll.u32 s1, $0xD;
	s1 =	sshrl.u32 s1, $0x2  }
0xba: {  	s3 =	sand.u32 $0x4000, s31;
	s1 =	sadd.s32 s1, s30  }
0xbb: {  	s0 =	sor.u32 s3, s0;
	s1 =	sshll.u32 s1, $0x11  }
0xbc: {  	s0 =	sor.u32 s1, s0  }
0xbd: {  	s0 =	sadd.s32 $0x8F2B, s0  }
0xbe: {  	[sflag:s0] =	ssyncadd.remote.s32 $0x1  }
0xbf: {  	_ =	sfence.sel $0xFFFF  }
0xc0: {  	[dreg:$0x0] =	wrdreg $0xFFFFFFFF;
	(pc) =	sbr.abs _section_cstart, $3  }
0xc1: {  	[dreg:$0x1] =	wrdreg $0xFFFFFFFF  }
0xc2: {  	_ =	task.clear_ibuf [dreg:s7], $0x2FFFF;
	_ =	strace $0x9FFFFFFF  }
0xc3: {  	(tm) =	ssettm $0x7FFFFFFF  }
tec
execute0_lowered:
.L_overlay_start_1:
0x0: {  	(tag) =	ssettag $0x1  }
0x1: {  	s6 =	rddreg [dreg:$0x0]  }
0x2: {  	s7 =	rddreg [dreg:$0x1]  }
0x3: {  	s2 =	rddreg [dreg:$0x2]  }
0x4: {  	s0 =	rddreg [dreg:$0x3]  }
0x5: {  	s1 =	stileid.u32;
	s3 =	simm.s32 $0x0;
	s4 =	srdreg.scid  }
0x6: {  	s14 =	simm.s32 $0x80;
	s15 =	simm.s32 $0xA000;
	s16 =	simm.s32 $0xC000  }
0x7: {  	s17 =	simm.s32 $0x1;
	s18 =	simm.s32 $0x100;
	s19 =	simm.s32 $0xE000  }
0x8: {  	s20 =	simm.s32 $0x2;
	s21 =	simm.s32 $0x180;
	s22 =	simm.s32 $0x10000  }
0x9: {  	s23 =	simm.s32 $0x5080;
	s24 =	simm.s32 $0x3;
	s5 =	smul.u32 $0xA00, s1  }
0xa: {  	s25 =	simm.s32 $0x4;
	[smem:$0x7FF] =	sst s3;
	s9 =	smul.u32 $0x13C0, s1  }
0xb: {  	s8 =	sand.u32 $0x1, s4;
	s4 =	sadd.s32 $0x7A200, s6;
	s26 =	smul.u32 $0x27800, s1  }
0xc: {  	s31 =	sshll.u32 s1, $0x6;
	_ =	strace $0x8000004A;
	s10 =	smul.u32 $0x13C00, s8  }
0xd: {  	s12 =	sshll.u32 s8, $0x4;
	s28 =	ssub.s32 $0x2, s8;
	s11 =	sadd.s32 s5, s6  }
0xe: {  	s5 =	sadd.s32 $0x1C00, s6;
	s29 =	sor.u32 s1, s12;
	s30 =	sshrl.u32 s28, $0x1  }
0xf: {  	s9 =	sadd.s32 s9, s10;
	s10 =	sshrl.u32 s26, $0x2;
	s8 =	smul.u32 $0xA00, s29  }
0x10: {  	s12 =	ssub.s32 s28, s30;
	s26 =	simm.s32 $0x0;
	s9 =	sadd.s32 s9, s6  }
0x11: {  	s6 =	sadd.s32 $0x20200, s11;
	s13 =	sadd.s32 s10, s2;
	s10 =	simm.s32 $0x5000  }
0x12: {  	s11 =	simm.s32 $0x5;
	s7 =	sadd.s32 s7, s8;
	s8 =	sadd.s32 $0xA2200, s9  }
0x13: {  	s9 =	smax.u32 s12, $0x1;
	s12 =	sor.u32 $0x1C05, s31;
	s13 =	sshrl.u32 s13, $0x3  }
.LBB2_1:
0x14: {  	[tilespmem:s10], [sflag:$0x5] =	stream.linear.gather [hbm4b:s6+s3], $0x5000, $0x38;
	[tilespmem:$0x1BE00] =	vst v63  }
0x15: {  	_ =	swait.ge [sflag:s11], $0x5000  }
0x16: {  	[sflag:s11] =	ssyncset.done $0x0  }
0x17: {  	[sflag:s11] =	ssyncadd.s32 $0xFFFFB000  }
0x18: {  	[spmem:s13], [sflag:s12] =	dma.local [hbm:s5], $0x13C0  }
0x19: {  	_ =	swait.ge [sflag:s11], $0x13C0  }
0x1a: {  	[sflag:s11] =	ssyncset.done $0x0  }
0x1b: {  	[sflag:s11] =	ssyncadd.s32 $0xFFFFEC40  }
0x1c: {  	[tilespmem:s3], [sflag:$0x5] =	stream.linear.gather [hbm4b:s7+s3], $0x5000, $0x38;
	[tilespmem:$0x1BE00] =	vst v63  }
0x1d: {  	_ =	swait.ge [sflag:s11], $0x5000  }
0x1e: {  	[sflag:s11] =	ssyncset.done $0x0  }
0x1f: {  	[sflag:s11] =	ssyncadd.s32 $0xFFFFB000  }
0x20: {  	[bflag:$0x0] =	sbarrier.arrive $0xFFFF  }
0x21: {  	[tilespmem:s15], [sflag:$0x1] =	stream.indirect.gather [hbm4b:s4+s14], $0x40, s3, s14, $0xb8;
	[tilespmem:$0x1BE00] =	vst v63  }
0x22: {  	_ = 	snop  }
0x23: {  	[tilespmem:s16], [sflag:$0x2] =	stream.indirect.gather [hbm4b:s4+s14], $0x40, s14, s14, $0xb8;
	[tilespmem:$0x1BE00] =	vst v63  }
0x24: {  	_ =	swait.ge [sflag:s17], $0x2000  }
0x25: {  	[sflag:s17] =	ssyncset.done $0x0  }
0x26: {  	[sflag:s17] =	ssyncadd.s32 $0xFFFFE000  }
0x27: {  	[tilespmem:s19], [sflag:$0x3] =	stream.indirect.gather [hbm4b:s4+s14], $0x40, s18, s14, $0xb8;
	[tilespmem:$0x1BE00] =	vst v63  }
0x28: {  	_ = 	snop  }
0x29: {  	[spmem:s2] =	stream.indirect.scatter.add.f32 [tilespmem:s15], [sflag:$0x1], $0x40, s10, s14, $0xb8;
	[tilespmem:$0x1BE00] =	vst v63  }
0x2a: {  	_ =	swait.ge [sflag:s20], $0x2000  }
0x2b: {  	[sflag:s20] =	ssyncset.done $0x0  }
0x2c: {  	[sflag:s20] =	ssyncadd.s32 $0xFFFFE000  }
0x2d: {  	[tilespmem:s22], [sflag:$0x4] =	stream.indirect.gather [hbm4b:s4+s14], $0x40, s21, s14, $0xb8;
	[tilespmem:$0x1BE00] =	vst v63  }
0x2e: {  	_ = 	snop  }
0x2f: {  	[spmem:s2] =	stream.indirect.scatter.add.f32 [tilespmem:s16], [sflag:$0x2], $0x40, s23, s14, $0xb8;
	[tilespmem:$0x1BE00] =	vst v63  }
0x30: {  	_ =	swait.ge [sflag:s24], $0x2000  }
0x31: {  	[sflag:s24] =	ssyncset.done $0x0  }
0x32: {  	[sflag:s24] =	ssyncadd.s32 $0xFFFFE000  }
0x33: {  	_ =	swait.ge [sflag:s17], $0x2000  }
0x34: {  	[sflag:s17] =	ssyncset.done $0x0  }
0x35: {  	s28 =	simm.s32 $0x200;
	[sflag:s17] =	ssyncadd.s32 $0xFFFFE000  }
0x36: {  	[tilespmem:s15], [sflag:$0x1] =	stream.indirect.gather [hbm4b:s4+s14], $0x40, s28, s14, $0xb8;
	[tilespmem:$0x1BE00] =	vst v63  }
0x37: {  	s28 =	simm.s32 $0x5100  }
0x38: {  	[spmem:s2] =	stream.indirect.scatter.add.f32 [tilespmem:s19], [sflag:$0x3], $0x40, s28, s14, $0xb8;
	[tilespmem:$0x1BE00] =	vst v63  }
0x39: {  	_ =	swait.ge [sflag:s25], $0x2000  }
0x3a: {  	[sflag:s25] =	ssyncset.done $0x0  }
0x3b: {  	[sflag:s25] =	ssyncadd.s32 $0xFFFFE000  }
0x3c: {  	_ =	swait.ge [sflag:s20], $0x2000  }
0x3d: {  	[sflag:s20] =	ssyncset.done $0x0  }
0x3e: {  	s28 =	simm.s32 $0x280;
	[sflag:s20] =	ssyncadd.s32 $0xFFFFE000  }
0x3f: {  	[tilespmem:s16], [sflag:$0x2] =	stream.indirect.gather [hbm4b:s4+s14], $0x40, s28, s14, $0xb8;
	[tilespmem:$0x1BE00] =	vst v63  }
0x40: {  	s28 =	simm.s32 $0x5180  }
0x41: {  	[spmem:s2] =	stream.indirect.scatter.add.f32 [tilespmem:s22], [sflag:$0x4], $0x40, s28, s14, $0xb8;
	[tilespmem:$0x1BE00] =	vst v63  }
0x42: {  	_ =	swait.ge [sflag:s17], $0x2000  }
0x43: {  	[sflag:s17] =	ssyncset.done $0x0  }
0x44: {  	[sflag:s17] =	ssyncadd.s32 $0xFFFFE000  }
0x45: {  	_ =	swait.ge [sflag:s24], $0x2000  }
0x46: {  	[sflag:s24] =	ssyncset.done $0x0  }
0x47: {  	s28 =	simm.s32 $0x300;
	[sflag:s24] =	ssyncadd.s32 $0xFFFFE000  }
0x48: {  	[tilespmem:s19], [sflag:$0x3] =	stream.indirect.gather [hbm4b:s4+s14], $0x40, s28, s14, $0xb8;
	[tilespmem:$0x1BE00] =	vst v63  }
0x49: {  	s28 =	simm.s32 $0x5200  }
0x4a: {  	[spmem:s2] =	stream.indirect.scatter.add.f32 [tilespmem:s15], [sflag:$0x1], $0x40, s28, s14, $0xb8;
	[tilespmem:$0x1BE00] =	vst v63  }
0x4b: {  	_ =	swait.ge [sflag:s20], $0x2000  }
0x4c: {  	[sflag:s20] =	ssyncset.done $0x0  }
0x4d: {  	[sflag:s20] =	ssyncadd.s32 $0xFFFFE000  }
0x4e: {  	_ =	swait.ge [sflag:s25], $0x2000  }
0x4f: {  	[sflag:s25] =	ssyncset.done $0x0  }
0x50: {  	s28 =	simm.s32 $0x380;
	[sflag:s25] =	ssyncadd.s32 $0xFFFFE000  }
0x51: {  	[tilespmem:s22], [sflag:$0x4] =	stream.indirect.gather [hbm4b:s4+s14], $0x40, s28, s14, $0xb8;
	[tilespmem:$0x1BE00] =	vst v63  }
0x52: {  	s29 =	simm.s32 $0x5280;
	s28 =	simm.s32 $0x800  }
.LBB2_2:
0x53: {  	[spmem:s2] =	stream.indirect.scatter.add.f32 [tilespmem:s16], [sflag:$0x2], $0x40, s29, s14, $0xb8;
	[tilespmem:$0x1BE00] =	vst v63  }
0x54: {  	s29 =	smov.u32 s28  }
0x55: {  	p0 =	sne.s32 s28, $0x13000;
	s28 =	sadd.s32 $0x800, s28;
	_ =	swait.ge [sflag:s24], $0x2000  }
0x56: {  	[sflag:s24] =	ssyncset.done $0x0  }
0x57: {  	[sflag:s24] =	ssyncadd.s32 $0xFFFFE000  }
0x58: {  	_ =	swait.ge [sflag:s17], $0x2000  }
0x59: {  	s29 =	sshra.s32 s29, $0x2;
	[sflag:s17] =	ssyncset.done $0x0  }
0x5a: {  	s30 =	sadd.s32 $0x200, s29;
	[sflag:s17] =	ssyncadd.s32 $0xFFFFE000  }
0x5b: {  	[tilespmem:s15], [sflag:$0x1] =	stream.indirect.gather [hbm4b:s4+s14], $0x40, s30, s14, $0xb8;
	[tilespmem:$0x1BE00] =	vst v63  }
0x5c: {  	s30 =	sadd.s32 $0x5100, s29  }
0x5d: {  	[spmem:s2] =	stream.indirect.scatter.add.f32 [tilespmem:s19], [sflag:$0x3], $0x40, s30, s14, $0xb8;
	[tilespmem:$0x1BE00] =	vst v63  }
0x5e: {  	_ =	swait.ge [sflag:s25], $0x2000  }
0x5f: {  	[sflag:s25] =	ssyncset.done $0x0  }
0x60: {  	[sflag:s25] =	ssyncadd.s32 $0xFFFFE000  }
0x61: {  	_ =	swait.ge [sflag:s20], $0x2000  }
0x62: {  	[sflag:s20] =	ssyncset.done $0x0  }
0x63: {  	s30 =	sadd.s32 $0x280, s29;
	[sflag:s20] =	ssyncadd.s32 $0xFFFFE000  }
0x64: {  	[tilespmem:s16], [sflag:$0x2] =	stream.indirect.gather [hbm4b:s4+s14], $0x40, s30, s14, $0xb8;
	[tilespmem:$0x1BE00] =	vst v63  }
0x65: {  	s30 =	sadd.s32 $0x5180, s29  }
0x66: {  	[spmem:s2] =	stream.indirect.scatter.add.f32 [tilespmem:s22], [sflag:$0x4], $0x40, s30, s14, $0xb8;
	[tilespmem:$0x1BE00] =	vst v63  }
0x67: {  	_ =	swait.ge [sflag:s17], $0x2000  }
0x68: {  	[sflag:s17] =	ssyncset.done $0x0  }
0x69: {  	[sflag:s17] =	ssyncadd.s32 $0xFFFFE000  }
0x6a: {  	_ =	swait.ge [sflag:s24], $0x2000  }
0x6b: {  	[sflag:s24] =	ssyncset.done $0x0  }
0x6c: {  	s30 =	sadd.s32 $0x300, s29;
	[sflag:s24] =	ssyncadd.s32 $0xFFFFE000  }
0x6d: {  	[tilespmem:s19], [sflag:$0x3] =	stream.indirect.gather [hbm4b:s4+s14], $0x40, s30, s14, $0xb8;
	[tilespmem:$0x1BE00] =	vst v63  }
0x6e: {  	s30 =	sadd.s32 $0x5200, s29  }
0x6f: {  	[spmem:s2] =	stream.indirect.scatter.add.f32 [tilespmem:s15], [sflag:$0x1], $0x40, s30, s14, $0xb8;
	[tilespmem:$0x1BE00] =	vst v63  }
0x70: {  	_ =	swait.ge [sflag:s20], $0x2000  }
0x71: {  	[sflag:s20] =	ssyncset.done $0x0  }
0x72: {  	[sflag:s20] =	ssyncadd.s32 $0xFFFFE000  }
.Ltmp0:
0x73: {  	_ =	swait.ge [sflag:s25], $0x2000;
	(pc) =	sbr.rel @p0 .LBB2_2-.Ltmp0, $4  }
0x74: {  	[sflag:s25] =	ssyncset.done $0x0  }
0x75: {  	s30 =	sadd.s32 $0x380, s29;
	[sflag:s25] =	ssyncadd.s32 $0xFFFFE000  }
0x76: {  	[tilespmem:s22], [sflag:$0x4] =	stream.indirect.gather [hbm4b:s4+s14], $0x40, s30, s14, $0xb8;
	[tilespmem:$0x1BE00] =	vst v63  }
0x77: {  	s29 =	sadd.s32 $0x5280, s29  }
0x78: {  	[spmem:s2] =	stream.indirect.scatter.add.f32 [tilespmem:s16], [sflag:$0x2], $0x40, s29, s14, $0xb8;
	[tilespmem:$0x1BE00] =	vst v63  }
0x79: {  	_ =	swait.ge [sflag:s17], $0x2000  }
0x7a: {  	[sflag:s17] =	ssyncset.done $0x0  }
0x7b: {  	[sflag:s17] =	ssyncadd.s32 $0xFFFFE000  }
0x7c: {  	_ =	swait.ge [sflag:s20], $0x2000  }
0x7d: {  	[sflag:s20] =	ssyncset.done $0x0  }
0x7e: {  	[sflag:s20] =	ssyncadd.s32 $0xFFFFE000  }
0x7f: {  	_ =	swait.ge [sflag:s24], $0x2000  }
0x80: {  	[sflag:s24] =	ssyncset.done $0x0  }
0x81: {  	[sflag:s24] =	ssyncadd.s32 $0xFFFFE000  }
0x82: {  	_ =	swait.ge [sflag:s25], $0x2000  }
0x83: {  	s26 =	sadd.s32 $0x1, s26;
	[sflag:s25] =	ssyncset.done $0x0  }
0x84: {  	p0 =	sne.s32 s26, s9;
	[sflag:s25] =	ssyncadd.s32 $0xFFFFE000  }
.Ltmp1:
0x85: {  	[bflag:$0x0] =	sbarrier.arrive $0xFFFF;
	(pc) =	sbr.rel @p0 .LBB2_1-.Ltmp1, $4  }
0x86: {  	[hbm:s8], [sflag:s12] =	dma.local [spmem:s13], $0x13C0  }
0x87: {  	_ =	swait.ge [sflag:s11], $0x13C0  }
0x88: {  	[sflag:s11] =	ssyncset.done $0x0  }
0x89: {  	[sflag:s11] =	ssyncadd.s32 $0xFFFFEC40  }
0x8a: {  	_ =	sfence.sel $0x180000  }
0x8b: {  	[bflag:$0x0] =	sbarrier.arrive $0xFFFF  }
0x8c: {  	p0 =	sne.s32 s1, $0x0;
	_ =	strace $0x9000004A  }
0x8d: {  	s0 =	sadd.s32 @!p0 $0x100000, s0;
	[bflag:$0x2] =	sbarrier.arrive $0xFFFF  }
0x8e: {  	[sflag:s0] =	ssyncadd.tile.s32 @!p0 $0x1;
	_ =	shalt  }
.Lfunc_end2:
_tile_overlayer_lowered:
.L_overlay_start_2:
0x8f: {  	(tag) =	ssettag $0x2  }
0x90: {  	s0 =	rddreg [dreg:$0x0];
	s2 =	stileid.u32  }
0x91: {  	s1 =	rddreg [dreg:$0x1];
	p0 =	sne.s32 s2, $0x0  }
0x92: {  	s3 =	rddreg [dreg:$0x2];
	[bflag:$0x3] =	sbarrier.arrive $0xFFFF;
	s2 =	simm.s32 @!p0 $0x1C05  }
0x93: {  	[timem:s3], [sflag:s2] =	dma.local @!p0 [hbm:s0], s1  }
0x94: {  	s0 =	simm.s32 @!p0 $0x5  }
0x95: {  	_ =	swait.ge @!p0 [sflag:s0], s1  }
0x96: {  	s1 =	ssub.s32 @!p0 $0x0, s1;
	[sflag:s0] =	ssyncset.done @!p0 $0x0  }
0x97: {  	[sflag:s0] =	ssyncadd.s32 @!p0 s1  }
0x98: {  	[bflag:$0x3] =	sbarrier.arrive $0xFFFF  }
0x99: {  	_ =	shalt  }

// kernel: kernel.14.cloned.1.call-start
scs
__scs_entry_jumppad:
0x0: {  	(pc) =	sbr.rel $0x88, $3  }
0x1: {  	(tag) =	ssettag $0x0;
	lr =	simm.s32 $0x1  }
0x2: {  	[smem:$0x3F99] =	sst lr;
	_ =	strace $0xD0000000  }
0x3: {  	_ = 	snop  }
0x4: {  	_ = 	snop  }
0x5: {  	_ = 	snop  }
0x6: {  	_ = 	snop  }
0x7: {  	_ = 	snop  }
__scs_overlays_trampoline_lowered:
0x8: {  	[smem:$0x3FA8] =	sst s0  }
0x9: {  	[smem:$0x3FA9] =	sst s1  }
0xa: {  	[smem:$0x3FAA] =	sst s2  }
0xb: {  	[smem:$0x3FAB] =	sst s3  }
0xc: {  	[smem:$0x3FAC] =	sst s4  }
0xd: {  	[smem:$0x3FAD] =	sst s5  }
0xe: {  	[smem:$0x3FAE] =	sst s6  }
0xf: {  	[smem:$0x3FAF] =	sst s7  }
0x10: {  	[smem:$0x3FB0] =	sst s8  }
0x11: {  	[smem:$0x3FB1] =	sst s9;
	s0 =	simm.s32 @!p0 $0x0  }
0x12: {  	s1 =	sld [smem:$0x3F97];
	s0 =	simm.s32 @p0 $0x1  }
0x13: {  	[smem:$0x3FB2] =	sst s0;
	s0 =	simm.s32 @!p1 $0x0  }
0x14: {  	s2 =	sld [smem:$0x3F96];
	s0 =	simm.s32 @p1 $0x1  }
0x15: {  	[smem:$0x3FB3] =	sst s0;
	s0 =	simm.s32 @!p2 $0x0  }
0x16: {  	s3 =	sld [smem:$0x3FDB];
	s0 =	simm.s32 @p2 $0x1  }
0x17: {  	s4 =	simm.s32 $0x1BF5;
	[smem:$0x3FB5] =	sst s0  }
0x18: {  	s0 =	sld [smem:$0x3F98];
	_ =	swait.ge [sflag:s4], $0x0  }
0x19: {  	s7 =	sld [smem:$0x3F99]  }
0x1a: {  	s8 =	sadd.s32 $0xFFFFE003, lr  }
0x1b: {  	s9 =	sadd.s32 $0xFFFFFEF7, lr;
	s5 =	simm.s32 $0xFFFFFFFF;
	p2 =	slt.u32 s8, $0xFFFFF086  }
0x1c: {  	p1 =	slt.u32 s9, $0xF7A;
	s5 =	simm.s32 @!p2 $0x0  }
0x1d: {  	s5 =	simm.s32 @p1 $0x1;
	p0 =	seq.s32 s7, s2  }
0x1e: {  	s7 =	smul.u32 @!p0 $0xF7A, s2;
	p2 =	seq.s32 @!p0 s5, $0x0  }
0x1f: {  	s9 =	smul.u32 $0xF7A, s1;
	s8 =	simm.s32 @!p0 $0x1BF5;
	p2 =	por !p2, p0  }
0x20: {  	[sflag:s8] =	ssyncset.s32 @!p0 $0xFFFFF086;
	s6 =	sadd.s32 @!p0 s3, s7;
	s7 =	simm.s32 @!p0 $0x108  }
0x21: {  	s3 =	sadd.s32 s3, s9;
	s6 =	sadd.s32 @!p0 $0x88, s6;
	s7 =	simm.s32 @p2 $0x1082  }
0x22: {  	[simem:s7], [sflag:s8] =	dma.local @!p0 [hbm:s6], $0xF7A  }
0x23: {  	s9 =	sor.u32 $0xD0000000, s2;
	s6 =	simm.s32 $0x108;
	_ =	swait.ge @!p0 [sflag:s8], $0x0  }
0x24: {  	s3 =	sadd.s32 $0x88, s3;
	s6 =	simm.s32 @!p1 $0x1082;
	[sflag:s4] =	ssyncset.s32 $0xFFFFF086  }
0x25: {  	[simem:s6], [sflag:s4] =	dma.local [hbm:s3], $0xF7A  }
0x26: {  	[smem:$0x3F99] =	sst s1;
	(tag) =	ssettag s2;
	_ =	strace s9  }
0x27: {  	s1 =	sld [smem:$0x3FA9]  }
0x28: {  	s2 =	sld [smem:$0x3FAA]  }
0x29: {  	s4 =	sld [smem:$0x3FAC]  }
0x2a: {  	p0 =	seq.s32 s5, $0x0;
	s5 =	sld [smem:$0x3FAD]  }
0x2b: {  	s6 =	sld [smem:$0x3FAE]  }
0x2c: {  	s7 =	sld [smem:$0x3FAF]  }
0x2d: {  	s3 =	simm.s32 $0x108;
	s8 =	sld [smem:$0x3FB0]  }
0x2e: {  	s3 =	simm.s32 @!p0 $0x1082;
	s9 =	sld [smem:$0x3FB1]  }
0x2f: {  	lr =	sadd.s32 s0, s3;
	s0 =	sld [smem:$0x3FA8]  }
0x30: {  	s3 =	sld [smem:$0x3FAB]  }
0x31: {  	[smem:$0x3FB4] =	sst s10  }
0x32: {  	s10 =	sld [smem:$0x3FB2];
	_ =	sdelay $0x3  }
0x33: {  	p0 =	seq.s32 s10, $0x1;
	s10 =	sld [smem:$0x3FB4];
	_ =	sdelay $0x3  }
0x34: {  	[smem:$0x3FB4] =	sst s10  }
0x35: {  	s10 =	sld [smem:$0x3FB3];
	_ =	sdelay $0x3  }
0x36: {  	p1 =	seq.s32 s10, $0x1;
	s10 =	sld [smem:$0x3FB4];
	_ =	sdelay $0x3  }
0x37: {  	[smem:$0x3FB4] =	sst s10  }
0x38: {  	s10 =	sld [smem:$0x3FB5]  }
0x39: {  	_ = 	snop;
	(pc) =	sbr.ind lr, $3  }
0x3a: {  	_ = 	snop  }
0x3b: {  	_ = 	snop  }
0x3c: {  	p2 =	seq.s32 s10, $0x1;
	s10 =	sld [smem:$0x3FB4]  }
0x3d: {  	_ =	shalt  }
0x3e: {  	_ =	shalt  }
0x3f: {  	_ =	shalt  }
0x40: {  	_ =	shalt  }
0x41: {  	_ =	shalt  }
0x42: {  	_ =	shalt  }
0x43: {  	_ =	shalt  }
0x44: {  	_ =	shalt  }
0x45: {  	_ =	shalt  }
0x46: {  	_ =	shalt  }
0x47: {  	_ =	shalt  }
0x48: {  	_ =	shalt  }
0x49: {  	_ =	shalt  }
0x4a: {  	_ =	shalt  }
0x4b: {  	_ =	shalt  }
0x4c: {  	_ =	shalt  }
0x4d: {  	_ =	shalt  }
0x4e: {  	_ =	shalt  }
0x4f: {  	_ =	shalt  }
0x50: {  	_ =	shalt  }
0x51: {  	_ =	shalt  }
0x52: {  	_ =	shalt  }
0x53: {  	_ =	shalt  }
0x54: {  	_ =	shalt  }
0x55: {  	_ =	shalt  }
0x56: {  	_ =	shalt  }
0x57: {  	_ =	shalt  }
0x58: {  	_ =	shalt  }
0x59: {  	_ =	shalt  }
0x5a: {  	_ =	shalt  }
0x5b: {  	_ =	shalt  }
0x5c: {  	_ =	shalt  }
0x5d: {  	_ =	shalt  }
0x5e: {  	_ =	shalt  }
0x5f: {  	_ =	shalt  }
0x60: {  	_ =	shalt  }
0x61: {  	_ =	shalt  }
0x62: {  	_ =	shalt  }
0x63: {  	_ =	shalt  }
0x64: {  	_ =	shalt  }
0x65: {  	_ =	shalt  }
0x66: {  	_ =	shalt  }
0x67: {  	_ =	shalt  }
0x68: {  	_ =	shalt  }
0x69: {  	_ =	shalt  }
0x6a: {  	_ =	shalt  }
0x6b: {  	_ =	shalt  }
0x6c: {  	_ =	shalt  }
0x6d: {  	_ =	shalt  }
0x6e: {  	_ =	shalt  }
0x6f: {  	_ =	shalt  }
0x70: {  	_ =	shalt  }
0x71: {  	_ =	shalt  }
0x72: {  	_ =	shalt  }
0x73: {  	_ =	shalt  }
0x74: {  	_ =	shalt  }
0x75: {  	_ =	shalt  }
0x76: {  	_ =	shalt  }
0x77: {  	_ =	shalt  }
0x78: {  	_ =	shalt  }
0x79: {  	_ =	shalt  }
0x7a: {  	_ =	shalt  }
0x7b: {  	_ =	shalt  }
0x7c: {  	_ =	shalt  }
0x7d: {  	_ =	shalt  }
0x7e: {  	_ =	shalt  }
0x7f: {  	_ =	shalt  }
0x80: {  	_ =	shalt  }
0x81: {  	_ =	shalt  }
0x82: {  	_ =	shalt  }
0x83: {  	_ =	shalt  }
0x84: {  	_ =	shalt  }
0x85: {  	_ =	shalt  }
0x86: {  	_ =	shalt  }
0x87: {  	_ =	shalt  }
.Lfunc_end0:
.L_simem_size_0:
called_computation.2_lowered:
.L_overlay_start_0:
0x88: {  	s2 =	sld [smem:$0x3FD9]  }
0x89: {  	s3 =	sld [smem:$0x3FFE];
	_ =	sdelay $0x1  }
0x8a: {  	s1 =	srdreg.scid  }
0x8b: {  	s0 =	sand.u32 $0x1, s1  }
0x8c: {  	s17 =	sshll.u32 s0, $0xA;
	s2 =	sadd.s32 s3, s2  }
0x8d: {  	s2 =	sadd.s32 s2, s17  }
0x8e: {  	[smem:$0x3FC0] =	sst s2  }
0x8f: {  	_ = 	snop  }
0x90: {  	s2 =	sld [smem:$0x3FD0];
	(tm) =	ssettm $0x1  }
0x91: {  	s18 =	sld [smem:$0x3FFB];
	_ =	sdelay $0x3  }
0x92: {  	_ =	strace s18  }
0x93: {  	s3 =	sld [smem:$0x3FFC];
	_ =	sdelay $0x3  }
0x94: {  	_ =	strace s3  }
0x95: {  	s3 =	sld [smem:$0x3FFD];
	_ =	sdelay $0x3  }
0x96: {  	_ =	strace s3  }
0x97: {  	_ =	strace $0x8FFFFFFF  }
0x98: {  	s19 =	sld [smem:$0x3FDB];
	_ =	sdelay $0x1  }
0x99: {  	s4 =	simm.s32 $_scs_section_size  }
0x9a: {  	s5 =	simm.s32 $_size__tile_overlayer_lowered;
	s6 =	simm.s32 $_tile_overlayer_lowered  }
0x9b: {  	s22 =	simm.s32 $0x1BFF;
	s21 =	sshll.u32 s6, $0x1;
	s3 =	sadd.s32 s4, s19  }
0x9c: {  	s7 =	simm.s32 $0x0;
	s20 =	sshll.u32 s5, $0x1;
	s5 =	sadd.s32 s21, s3  }
0x9d: {  	[timem:s7], [sflag:s22] =	dma.local [hbm:s5], s20  }
0x9e: {  	_ =	swait.ge [sflag:s22], s20  }
0x9f: {  	s4 =	ssub.s32 $0x0, s20;
	[sflag:s22] =	ssyncset.done $0x0  }
0xa0: {  	[sflag:s22] =	ssyncadd.s32 s4;
	_ =	sdelay $0x1  }
0xa1: {  	s23 =	simm.s32 $0x1B8B  }
0xa2: {  	_ =	swait.ge [sflag:s23], $0x1  }
0xa3: {  	[sflag:s23] =	ssyncset.done $0x0  }
0xa4: {  	s25 =	simm.s32 $0x1B8E;
	s24 =	sld [smem:$0x3FFE];
	[sflag:s23] =	ssyncadd.s32 $0xFFFFFFFF  }
0xa5: {  	s26 =	simm.s32 $execute0_lowered;
	[smem:$0x3FD2] =	sst s25  }
0xa6: {  	s5 =	sshll.u32 s26, $0x1;
	_ =	strace $0x8000004C;
	[dreg:$0x1] =	wrdreg $0xFFFFFFFF  }
0xa7: {  	s28 =	simm.s32 $_size_execute0_lowered;
	s3 =	sadd.s32 s3, s5;
	[dreg:$0x0] =	wrdreg $0x0  }
0xa8: {  	s5 =	sshll.u32 s28, $0x1;
	[dreg:$0x2] =	wrdreg s3  }
0xa9: {  	[dreg:$0x3] =	wrdreg s5  }
0xaa: {  	[dreg:$0x4] =	wrdreg $0xC0  }
0xab: {  	_ =	task [dreg:s7], $0x5FFFF  }
0xac: {  	[dreg:$0x1] =	wrdreg $0xFFFFFFFF  }
0xad: {  	[dreg:$0x0] =	wrdreg $0x60  }
0xae: {  	[dreg:$0x2] =	wrdreg s24  }
0xaf: {  	[dreg:$0x3] =	wrdreg s2  }
0xb0: {  	[dreg:$0x4] =	wrdreg $0x120000  }
0xb1: {  	[dreg:$0x5] =	wrdreg $0x9  }
0xb2: {  	_ =	task.clear_ibuf [dreg:s7], $0x6FFFF;
	_ =	strace $0x9000004C  }
0xb3: {  	s29 =	simm.s32 $0x9;
	_ =	strace $0x8000004E  }
0xb4: {  	_ =	swait.ge [sflag:s29], $0x1  }
0xb5: {  	[sflag:s29] =	ssyncadd.s32 $0xFFFFFFFF  }
0xb6: {  	_ =	strace $0x9000004E  }
0xb7: {  	_ =	sfence  }
0xb8: {  	s30 =	sld [smem:$0x0];
	_ =	sdelay $0x2  }
0xb9: {  	s31 =	sshll.u32 s1, $0xD;
	s1 =	sshrl.u32 s1, $0x2  }
0xba: {  	s3 =	sand.u32 $0x4000, s31;
	s1 =	sadd.s32 s1, s30  }
0xbb: {  	s0 =	sor.u32 s3, s0;
	s1 =	sshll.u32 s1, $0x11  }
0xbc: {  	s0 =	sor.u32 s1, s0  }
0xbd: {  	s0 =	sadd.s32 $0x8F2B, s0  }
0xbe: {  	[sflag:s0] =	ssyncadd.remote.s32 $0x1  }
0xbf: {  	_ =	sfence.sel $0xFFFF  }
0xc0: {  	[dreg:$0x0] =	wrdreg $0xFFFFFFFF;
	(pc) =	sbr.abs _section_cstart, $3  }
0xc1: {  	[dreg:$0x1] =	wrdreg $0xFFFFFFFF  }
0xc2: {  	_ =	task.clear_ibuf [dreg:s7], $0x2FFFF;
	_ =	strace $0x9FFFFFFF  }
0xc3: {  	(tm) =	ssettm $0x7FFFFFFF  }
tec
execute0_lowered:
.L_overlay_start_1:
0x0: {  	(tag) =	ssettag $0x1  }
0x1: {  	s6 =	rddreg [dreg:$0x0]  }
0x2: {  	s7 =	rddreg [dreg:$0x1]  }
0x3: {  	s2 =	rddreg [dreg:$0x2]  }
0x4: {  	s0 =	rddreg [dreg:$0x3]  }
0x5: {  	s1 =	stileid.u32;
	s3 =	simm.s32 $0x0;
	s4 =	srdreg.scid  }
0x6: {  	s14 =	simm.s32 $0x80;
	s15 =	simm.s32 $0xA000;
	s16 =	simm.s32 $0xC000  }
0x7: {  	s17 =	simm.s32 $0x1;
	s18 =	simm.s32 $0x100;
	s19 =	simm.s32 $0xE000  }
0x8: {  	s20 =	simm.s32 $0x2;
	s21 =	simm.s32 $0x180;
	s22 =	simm.s32 $0x10000  }
0x9: {  	s23 =	simm.s32 $0x5080;
	s24 =	simm.s32 $0x3;
	s5 =	smul.u32 $0xA00, s1  }
0xa: {  	s25 =	simm.s32 $0x4;
	[smem:$0x7FF] =	sst s3;
	s9 =	smul.u32 $0x13C0, s1  }
0xb: {  	s8 =	sand.u32 $0x1, s4;
	s4 =	sadd.s32 $0x2A200, s6;
	s26 =	smul.u32 $0x27800, s1  }
0xc: {  	s31 =	sshll.u32 s1, $0x6;
	_ =	strace $0x8000004D;
	s10 =	smul.u32 $0x13C00, s8  }
0xd: {  	s12 =	sshll.u32 s8, $0x4;
	s28 =	ssub.s32 $0x2, s8;
	s11 =	sadd.s32 s5, s6  }
0xe: {  	s5 =	sadd.s32 $0x1C00, s6;
	s29 =	sor.u32 s1, s12;
	s30 =	sshrl.u32 s28, $0x1  }
0xf: {  	s9 =	sadd.s32 s9, s10;
	s10 =	sshrl.u32 s26, $0x2;
	s8 =	smul.u32 $0xA00, s29  }
0x10: {  	s12 =	ssub.s32 s28, s30;
	s26 =	simm.s32 $0x0;
	s9 =	sadd.s32 s9, s6  }
0x11: {  	s6 =	sadd.s32 $0x20200, s11;
	s13 =	sadd.s32 s10, s2;
	s10 =	simm.s32 $0x5000  }
0x12: {  	s11 =	simm.s32 $0x5;
	s7 =	sadd.s32 s7, s8;
	s8 =	sadd.s32 $0x52200, s9  }
0x13: {  	s9 =	smax.u32 s12, $0x1;
	s12 =	sor.u32 $0x1C05, s31;
	s13 =	sshrl.u32 s13, $0x3  }
.LBB2_1:
0x14: {  	[tilespmem:s10], [sflag:$0x5] =	stream.linear.gather [hbm4b:s6+s3], $0x5000, $0x38;
	[tilespmem:$0x1BE00] =	vst v63  }
0x15: {  	_ =	swait.ge [sflag:s11], $0x5000  }
0x16: {  	[sflag:s11] =	ssyncset.done $0x0  }
0x17: {  	[sflag:s11] =	ssyncadd.s32 $0xFFFFB000  }
0x18: {  	[spmem:s13], [sflag:s12] =	dma.local [hbm:s5], $0x13C0  }
0x19: {  	_ =	swait.ge [sflag:s11], $0x13C0  }
0x1a: {  	[sflag:s11] =	ssyncset.done $0x0  }
0x1b: {  	[sflag:s11] =	ssyncadd.s32 $0xFFFFEC40  }
0x1c: {  	[tilespmem:s3], [sflag:$0x5] =	stream.linear.gather [hbm4b:s7+s3], $0x5000, $0x38;
	[tilespmem:$0x1BE00] =	vst v63  }
0x1d: {  	_ =	swait.ge [sflag:s11], $0x5000  }
0x1e: {  	[sflag:s11] =	ssyncset.done $0x0  }
0x1f: {  	[sflag:s11] =	ssyncadd.s32 $0xFFFFB000  }
0x20: {  	[bflag:$0x0] =	sbarrier.arrive $0xFFFF  }
0x21: {  	[tilespmem:s15], [sflag:$0x1] =	stream.indirect.gather [hbm4b:s4+s14], $0x40, s3, s14, $0xb8;
	[tilespmem:$0x1BE00] =	vst v63  }
0x22: {  	_ = 	snop  }
0x23: {  	[tilespmem:s16], [sflag:$0x2] =	stream.indirect.gather [hbm4b:s4+s14], $0x40, s14, s14, $0xb8;
	[tilespmem:$0x1BE00] =	vst v63  }
0x24: {  	_ =	swait.ge [sflag:s17], $0x2000  }
0x25: {  	[sflag:s17] =	ssyncset.done $0x0  }
0x26: {  	[sflag:s17] =	ssyncadd.s32 $0xFFFFE000  }
0x27: {  	[tilespmem:s19], [sflag:$0x3] =	stream.indirect.gather [hbm4b:s4+s14], $0x40, s18, s14, $0xb8;
	[tilespmem:$0x1BE00] =	vst v63  }
0x28: {  	_ = 	snop  }
0x29: {  	[spmem:s2] =	stream.indirect.scatter.add.f32 [tilespmem:s15], [sflag:$0x1], $0x40, s10, s14, $0xb8;
	[tilespmem:$0x1BE00] =	vst v63  }
0x2a: {  	_ =	swait.ge [sflag:s20], $0x2000  }
0x2b: {  	[sflag:s20] =	ssyncset.done $0x0  }
0x2c: {  	[sflag:s20] =	ssyncadd.s32 $0xFFFFE000  }
0x2d: {  	[tilespmem:s22], [sflag:$0x4] =	stream.indirect.gather [hbm4b:s4+s14], $0x40, s21, s14, $0xb8;
	[tilespmem:$0x1BE00] =	vst v63  }
0x2e: {  	_ = 	snop  }
0x2f: {  	[spmem:s2] =	stream.indirect.scatter.add.f32 [tilespmem:s16], [sflag:$0x2], $0x40, s23, s14, $0xb8;
	[tilespmem:$0x1BE00] =	vst v63  }
0x30: {  	_ =	swait.ge [sflag:s24], $0x2000  }
0x31: {  	[sflag:s24] =	ssyncset.done $0x0  }
0x32: {  	[sflag:s24] =	ssyncadd.s32 $0xFFFFE000  }
0x33: {  	_ =	swait.ge [sflag:s17], $0x2000  }
0x34: {  	[sflag:s17] =	ssyncset.done $0x0  }
0x35: {  	s28 =	simm.s32 $0x200;
	[sflag:s17] =	ssyncadd.s32 $0xFFFFE000  }
0x36: {  	[tilespmem:s15], [sflag:$0x1] =	stream.indirect.gather [hbm4b:s4+s14], $0x40, s28, s14, $0xb8;
	[tilespmem:$0x1BE00] =	vst v63  }
0x37: {  	s28 =	simm.s32 $0x5100  }
0x38: {  	[spmem:s2] =	stream.indirect.scatter.add.f32 [tilespmem:s19], [sflag:$0x3], $0x40, s28, s14, $0xb8;
	[tilespmem:$0x1BE00] =	vst v63  }
0x39: {  	_ =	swait.ge [sflag:s25], $0x2000  }
0x3a: {  	[sflag:s25] =	ssyncset.done $0x0  }
0x3b: {  	[sflag:s25] =	ssyncadd.s32 $0xFFFFE000  }
0x3c: {  	_ =	swait.ge [sflag:s20], $0x2000  }
0x3d: {  	[sflag:s20] =	ssyncset.done $0x0  }
0x3e: {  	s28 =	simm.s32 $0x280;
	[sflag:s20] =	ssyncadd.s32 $0xFFFFE000  }
0x3f: {  	[tilespmem:s16], [sflag:$0x2] =	stream.indirect.gather [hbm4b:s4+s14], $0x40, s28, s14, $0xb8;
	[tilespmem:$0x1BE00] =	vst v63  }
0x40: {  	s28 =	simm.s32 $0x5180  }
0x41: {  	[spmem:s2] =	stream.indirect.scatter.add.f32 [tilespmem:s22], [sflag:$0x4], $0x40, s28, s14, $0xb8;
	[tilespmem:$0x1BE00] =	vst v63  }
0x42: {  	_ =	swait.ge [sflag:s17], $0x2000  }
0x43: {  	[sflag:s17] =	ssyncset.done $0x0  }
0x44: {  	[sflag:s17] =	ssyncadd.s32 $0xFFFFE000  }
0x45: {  	_ =	swait.ge [sflag:s24], $0x2000  }
0x46: {  	[sflag:s24] =	ssyncset.done $0x0  }
0x47: {  	s28 =	simm.s32 $0x300;
	[sflag:s24] =	ssyncadd.s32 $0xFFFFE000  }
0x48: {  	[tilespmem:s19], [sflag:$0x3] =	stream.indirect.gather [hbm4b:s4+s14], $0x40, s28, s14, $0xb8;
	[tilespmem:$0x1BE00] =	vst v63  }
0x49: {  	s28 =	simm.s32 $0x5200  }
0x4a: {  	[spmem:s2] =	stream.indirect.scatter.add.f32 [tilespmem:s15], [sflag:$0x1], $0x40, s28, s14, $0xb8;
	[tilespmem:$0x1BE00] =	vst v63  }
0x4b: {  	_ =	swait.ge [sflag:s20], $0x2000  }
0x4c: {  	[sflag:s20] =	ssyncset.done $0x0  }
0x4d: {  	[sflag:s20] =	ssyncadd.s32 $0xFFFFE000  }
0x4e: {  	_ =	swait.ge [sflag:s25], $0x2000  }
0x4f: {  	[sflag:s25] =	ssyncset.done $0x0  }
0x50: {  	s28 =	simm.s32 $0x380;
	[sflag:s25] =	ssyncadd.s32 $0xFFFFE000  }
0x51: {  	[tilespmem:s22], [sflag:$0x4] =	stream.indirect.gather [hbm4b:s4+s14], $0x40, s28, s14, $0xb8;
	[tilespmem:$0x1BE00] =	vst v63  }
0x52: {  	s29 =	simm.s32 $0x5280;
	s28 =	simm.s32 $0x800  }
.LBB2_2:
0x53: {  	[spmem:s2] =	stream.indirect.scatter.add.f32 [tilespmem:s16], [sflag:$0x2], $0x40, s29, s14, $0xb8;
	[tilespmem:$0x1BE00] =	vst v63  }
0x54: {  	s29 =	smov.u32 s28  }
0x55: {  	p0 =	sne.s32 s28, $0x13000;
	s28 =	sadd.s32 $0x800, s28;
	_ =	swait.ge [sflag:s24], $0x2000  }
0x56: {  	[sflag:s24] =	ssyncset.done $0x0  }
0x57: {  	[sflag:s24] =	ssyncadd.s32 $0xFFFFE000  }
0x58: {  	_ =	swait.ge [sflag:s17], $0x2000  }
0x59: {  	s29 =	sshra.s32 s29, $0x2;
	[sflag:s17] =	ssyncset.done $0x0  }
0x5a: {  	s30 =	sadd.s32 $0x200, s29;
	[sflag:s17] =	ssyncadd.s32 $0xFFFFE000  }
0x5b: {  	[tilespmem:s15], [sflag:$0x1] =	stream.indirect.gather [hbm4b:s4+s14], $0x40, s30, s14, $0xb8;
	[tilespmem:$0x1BE00] =	vst v63  }
0x5c: {  	s30 =	sadd.s32 $0x5100, s29  }
0x5d: {  	[spmem:s2] =	stream.indirect.scatter.add.f32 [tilespmem:s19], [sflag:$0x3], $0x40, s30, s14, $0xb8;
	[tilespmem:$0x1BE00] =	vst v63  }
0x5e: {  	_ =	swait.ge [sflag:s25], $0x2000  }
0x5f: {  	[sflag:s25] =	ssyncset.done $0x0  }
0x60: {  	[sflag:s25] =	ssyncadd.s32 $0xFFFFE000  }
0x61: {  	_ =	swait.ge [sflag:s20], $0x2000  }
0x62: {  	[sflag:s20] =	ssyncset.done $0x0  }
0x63: {  	s30 =	sadd.s32 $0x280, s29;
	[sflag:s20] =	ssyncadd.s32 $0xFFFFE000  }
0x64: {  	[tilespmem:s16], [sflag:$0x2] =	stream.indirect.gather [hbm4b:s4+s14], $0x40, s30, s14, $0xb8;
	[tilespmem:$0x1BE00] =	vst v63  }
0x65: {  	s30 =	sadd.s32 $0x5180, s29  }
0x66: {  	[spmem:s2] =	stream.indirect.scatter.add.f32 [tilespmem:s22], [sflag:$0x4], $0x40, s30, s14, $0xb8;
	[tilespmem:$0x1BE00] =	vst v63  }
0x67: {  	_ =	swait.ge [sflag:s17], $0x2000  }
0x68: {  	[sflag:s17] =	ssyncset.done $0x0  }
0x69: {  	[sflag:s17] =	ssyncadd.s32 $0xFFFFE000  }
0x6a: {  	_ =	swait.ge [sflag:s24], $0x2000  }
0x6b: {  	[sflag:s24] =	ssyncset.done $0x0  }
0x6c: {  	s30 =	sadd.s32 $0x300, s29;
	[sflag:s24] =	ssyncadd.s32 $0xFFFFE000  }
0x6d: {  	[tilespmem:s19], [sflag:$0x3] =	stream.indirect.gather [hbm4b:s4+s14], $0x40, s30, s14, $0xb8;
	[tilespmem:$0x1BE00] =	vst v63  }
0x6e: {  	s30 =	sadd.s32 $0x5200, s29  }
0x6f: {  	[spmem:s2] =	stream.indirect.scatter.add.f32 [tilespmem:s15], [sflag:$0x1], $0x40, s30, s14, $0xb8;
	[tilespmem:$0x1BE00] =	vst v63  }
0x70: {  	_ =	swait.ge [sflag:s20], $0x2000  }
0x71: {  	[sflag:s20] =	ssyncset.done $0x0  }
0x72: {  	[sflag:s20] =	ssyncadd.s32 $0xFFFFE000  }
.Ltmp0:
0x73: {  	_ =	swait.ge [sflag:s25], $0x2000;
	(pc) =	sbr.rel @p0 .LBB2_2-.Ltmp0, $4  }
0x74: {  	[sflag:s25] =	ssyncset.done $0x0  }
0x75: {  	s30 =	sadd.s32 $0x380, s29;
	[sflag:s25] =	ssyncadd.s32 $0xFFFFE000  }
0x76: {  	[tilespmem:s22], [sflag:$0x4] =	stream.indirect.gather [hbm4b:s4+s14], $0x40, s30, s14, $0xb8;
	[tilespmem:$0x1BE00] =	vst v63  }
0x77: {  	s29 =	sadd.s32 $0x5280, s29  }
0x78: {  	[spmem:s2] =	stream.indirect.scatter.add.f32 [tilespmem:s16], [sflag:$0x2], $0x40, s29, s14, $0xb8;
	[tilespmem:$0x1BE00] =	vst v63  }
0x79: {  	_ =	swait.ge [sflag:s17], $0x2000  }
0x7a: {  	[sflag:s17] =	ssyncset.done $0x0  }
0x7b: {  	[sflag:s17] =	ssyncadd.s32 $0xFFFFE000  }
0x7c: {  	_ =	swait.ge [sflag:s20], $0x2000  }
0x7d: {  	[sflag:s20] =	ssyncset.done $0x0  }
0x7e: {  	[sflag:s20] =	ssyncadd.s32 $0xFFFFE000  }
0x7f: {  	_ =	swait.ge [sflag:s24], $0x2000  }
0x80: {  	[sflag:s24] =	ssyncset.done $0x0  }
0x81: {  	[sflag:s24] =	ssyncadd.s32 $0xFFFFE000  }
0x82: {  	_ =	swait.ge [sflag:s25], $0x2000  }
0x83: {  	s26 =	sadd.s32 $0x1, s26;
	[sflag:s25] =	ssyncset.done $0x0  }
0x84: {  	p0 =	sne.s32 s26, s9;
	[sflag:s25] =	ssyncadd.s32 $0xFFFFE000  }
.Ltmp1:
0x85: {  	[bflag:$0x0] =	sbarrier.arrive $0xFFFF;
	(pc) =	sbr.rel @p0 .LBB2_1-.Ltmp1, $4  }
0x86: {  	[hbm:s8], [sflag:s12] =	dma.local [spmem:s13], $0x13C0  }
0x87: {  	_ =	swait.ge [sflag:s11], $0x13C0  }
0x88: {  	[sflag:s11] =	ssyncset.done $0x0  }
0x89: {  	[sflag:s11] =	ssyncadd.s32 $0xFFFFEC40  }
0x8a: {  	_ =	sfence.sel $0x180000  }
0x8b: {  	[bflag:$0x0] =	sbarrier.arrive $0xFFFF  }
0x8c: {  	p0 =	sne.s32 s1, $0x0;
	_ =	strace $0x9000004D  }
0x8d: {  	s0 =	sadd.s32 @!p0 $0x100000, s0;
	[bflag:$0x2] =	sbarrier.arrive $0xFFFF  }
0x8e: {  	[sflag:s0] =	ssyncadd.tile.s32 @!p0 $0x1;
	_ =	shalt  }
.Lfunc_end2:
_tile_overlayer_lowered:
.L_overlay_start_2:
0x8f: {  	(tag) =	ssettag $0x2  }
0x90: {  	s0 =	rddreg [dreg:$0x0];
	s2 =	stileid.u32  }
0x91: {  	s1 =	rddreg [dreg:$0x1];
	p0 =	sne.s32 s2, $0x0  }
0x92: {  	s3 =	rddreg [dreg:$0x2];
	[bflag:$0x3] =	sbarrier.arrive $0xFFFF;
	s2 =	simm.s32 @!p0 $0x1C05  }
0x93: {  	[timem:s3], [sflag:s2] =	dma.local @!p0 [hbm:s0], s1  }
0x94: {  	s0 =	simm.s32 @!p0 $0x5  }
0x95: {  	_ =	swait.ge @!p0 [sflag:s0], s1  }
0x96: {  	s1 =	ssub.s32 @!p0 $0x0, s1;
	[sflag:s0] =	ssyncset.done @!p0 $0x0  }
0x97: {  	[sflag:s0] =	ssyncadd.s32 @!p0 s1  }
0x98: {  	[bflag:$0x3] =	sbarrier.arrive $0xFFFF  }
0x99: {  	_ =	shalt  }

// kernel: kernel.8.cloned.1.call-start
scs
__scs_entry_jumppad:
0x0: {  	(pc) =	sbr.rel $0x88, $3  }
0x1: {  	(tag) =	ssettag $0x0;
	lr =	simm.s32 $0x1  }
0x2: {  	[smem:$0x3F99] =	sst lr;
	_ =	strace $0xD0000000  }
0x3: {  	_ = 	snop  }
0x4: {  	_ = 	snop  }
0x5: {  	_ = 	snop  }
0x6: {  	_ = 	snop  }
0x7: {  	_ = 	snop  }
__scs_overlays_trampoline_lowered:
0x8: {  	[smem:$0x3FA8] =	sst s0  }
0x9: {  	[smem:$0x3FA9] =	sst s1  }
0xa: {  	[smem:$0x3FAA] =	sst s2  }
0xb: {  	[smem:$0x3FAB] =	sst s3  }
0xc: {  	[smem:$0x3FAC] =	sst s4  }
0xd: {  	[smem:$0x3FAD] =	sst s5  }
0xe: {  	[smem:$0x3FAE] =	sst s6  }
0xf: {  	[smem:$0x3FAF] =	sst s7  }
0x10: {  	[smem:$0x3FB0] =	sst s8  }
0x11: {  	[smem:$0x3FB1] =	sst s9;
	s0 =	simm.s32 @!p0 $0x0  }
0x12: {  	s1 =	sld [smem:$0x3F97];
	s0 =	simm.s32 @p0 $0x1  }
0x13: {  	[smem:$0x3FB2] =	sst s0;
	s0 =	simm.s32 @!p1 $0x0  }
0x14: {  	s2 =	sld [smem:$0x3F96];
	s0 =	simm.s32 @p1 $0x1  }
0x15: {  	[smem:$0x3FB3] =	sst s0;
	s0 =	simm.s32 @!p2 $0x0  }
0x16: {  	s3 =	sld [smem:$0x3FDB];
	s0 =	simm.s32 @p2 $0x1  }
0x17: {  	s4 =	simm.s32 $0x1BF5;
	[smem:$0x3FB5] =	sst s0  }
0x18: {  	s0 =	sld [smem:$0x3F98];
	_ =	swait.ge [sflag:s4], $0x0  }
0x19: {  	s7 =	sld [smem:$0x3F99]  }
0x1a: {  	s8 =	sadd.s32 $0xFFFFE003, lr  }
0x1b: {  	s9 =	sadd.s32 $0xFFFFFEF7, lr;
	s5 =	simm.s32 $0xFFFFFFFF;
	p2 =	slt.u32 s8, $0xFFFFF086  }
0x1c: {  	p1 =	slt.u32 s9, $0xF7A;
	s5 =	simm.s32 @!p2 $0x0  }
0x1d: {  	s5 =	simm.s32 @p1 $0x1;
	p0 =	seq.s32 s7, s2  }
0x1e: {  	s7 =	smul.u32 @!p0 $0xF7A, s2;
	p2 =	seq.s32 @!p0 s5, $0x0  }
0x1f: {  	s9 =	smul.u32 $0xF7A, s1;
	s8 =	simm.s32 @!p0 $0x1BF5;
	p2 =	por !p2, p0  }
0x20: {  	[sflag:s8] =	ssyncset.s32 @!p0 $0xFFFFF086;
	s6 =	sadd.s32 @!p0 s3, s7;
	s7 =	simm.s32 @!p0 $0x108  }
0x21: {  	s3 =	sadd.s32 s3, s9;
	s6 =	sadd.s32 @!p0 $0x88, s6;
	s7 =	simm.s32 @p2 $0x1082  }
0x22: {  	[simem:s7], [sflag:s8] =	dma.local @!p0 [hbm:s6], $0xF7A  }
0x23: {  	s9 =	sor.u32 $0xD0000000, s2;
	s6 =	simm.s32 $0x108;
	_ =	swait.ge @!p0 [sflag:s8], $0x0  }
0x24: {  	s3 =	sadd.s32 $0x88, s3;
	s6 =	simm.s32 @!p1 $0x1082;
	[sflag:s4] =	ssyncset.s32 $0xFFFFF086  }
0x25: {  	[simem:s6], [sflag:s4] =	dma.local [hbm:s3], $0xF7A  }
0x26: {  	[smem:$0x3F99] =	sst s1;
	(tag) =	ssettag s2;
	_ =	strace s9  }
0x27: {  	s1 =	sld [smem:$0x3FA9]  }
0x28: {  	s2 =	sld [smem:$0x3FAA]  }
0x29: {  	s4 =	sld [smem:$0x3FAC]  }
0x2a: {  	p0 =	seq.s32 s5, $0x0;
	s5 =	sld [smem:$0x3FAD]  }
0x2b: {  	s6 =	sld [smem:$0x3FAE]  }
0x2c: {  	s7 =	sld [smem:$0x3FAF]  }
0x2d: {  	s3 =	simm.s32 $0x108;
	s8 =	sld [smem:$0x3FB0]  }
0x2e: {  	s3 =	simm.s32 @!p0 $0x1082;
	s9 =	sld [smem:$0x3FB1]  }
0x2f: {  	lr =	sadd.s32 s0, s3;
	s0 =	sld [smem:$0x3FA8]  }
0x30: {  	s3 =	sld [smem:$0x3FAB]  }
0x31: {  	[smem:$0x3FB4] =	sst s10  }
0x32: {  	s10 =	sld [smem:$0x3FB2];
	_ =	sdelay $0x3  }
0x33: {  	p0 =	seq.s32 s10, $0x1;
	s10 =	sld [smem:$0x3FB4];
	_ =	sdelay $0x3  }
0x34: {  	[smem:$0x3FB4] =	sst s10  }
0x35: {  	s10 =	sld [smem:$0x3FB3];
	_ =	sdelay $0x3  }
0x36: {  	p1 =	seq.s32 s10, $0x1;
	s10 =	sld [smem:$0x3FB4];
	_ =	sdelay $0x3  }
0x37: {  	[smem:$0x3FB4] =	sst s10  }
0x38: {  	s10 =	sld [smem:$0x3FB5]  }
0x39: {  	_ = 	snop;
	(pc) =	sbr.ind lr, $3  }
0x3a: {  	_ = 	snop  }
0x3b: {  	_ = 	snop  }
0x3c: {  	p2 =	seq.s32 s10, $0x1;
	s10 =	sld [smem:$0x3FB4]  }
0x3d: {  	_ =	shalt  }
0x3e: {  	_ =	shalt  }
0x3f: {  	_ =	shalt  }
0x40: {  	_ =	shalt  }
0x41: {  	_ =	shalt  }
0x42: {  	_ =	shalt  }
0x43: {  	_ =	shalt  }
0x44: {  	_ =	shalt  }
0x45: {  	_ =	shalt  }
0x46: {  	_ =	shalt  }
0x47: {  	_ =	shalt  }
0x48: {  	_ =	shalt  }
0x49: {  	_ =	shalt  }
0x4a: {  	_ =	shalt  }
0x4b: {  	_ =	shalt  }
0x4c: {  	_ =	shalt  }
0x4d: {  	_ =	shalt  }
0x4e: {  	_ =	shalt  }
0x4f: {  	_ =	shalt  }
0x50: {  	_ =	shalt  }
0x51: {  	_ =	shalt  }
0x52: {  	_ =	shalt  }
0x53: {  	_ =	shalt  }
0x54: {  	_ =	shalt  }
0x55: {  	_ =	shalt  }
0x56: {  	_ =	shalt  }
0x57: {  	_ =	shalt  }
0x58: {  	_ =	shalt  }
0x59: {  	_ =	shalt  }
0x5a: {  	_ =	shalt  }
0x5b: {  	_ =	shalt  }
0x5c: {  	_ =	shalt  }
0x5d: {  	_ =	shalt  }
0x5e: {  	_ =	shalt  }
0x5f: {  	_ =	shalt  }
0x60: {  	_ =	shalt  }
0x61: {  	_ =	shalt  }
0x62: {  	_ =	shalt  }
0x63: {  	_ =	shalt  }
0x64: {  	_ =	shalt  }
0x65: {  	_ =	shalt  }
0x66: {  	_ =	shalt  }
0x67: {  	_ =	shalt  }
0x68: {  	_ =	shalt  }
0x69: {  	_ =	shalt  }
0x6a: {  	_ =	shalt  }
0x6b: {  	_ =	shalt  }
0x6c: {  	_ =	shalt  }
0x6d: {  	_ =	shalt  }
0x6e: {  	_ =	shalt  }
0x6f: {  	_ =	shalt  }
0x70: {  	_ =	shalt  }
0x71: {  	_ =	shalt  }
0x72: {  	_ =	shalt  }
0x73: {  	_ =	shalt  }
0x74: {  	_ =	shalt  }
0x75: {  	_ =	shalt  }
0x76: {  	_ =	shalt  }
0x77: {  	_ =	shalt  }
0x78: {  	_ =	shalt  }
0x79: {  	_ =	shalt  }
0x7a: {  	_ =	shalt  }
0x7b: {  	_ =	shalt  }
0x7c: {  	_ =	shalt  }
0x7d: {  	_ =	shalt  }
0x7e: {  	_ =	shalt  }
0x7f: {  	_ =	shalt  }
0x80: {  	_ =	shalt  }
0x81: {  	_ =	shalt  }
0x82: {  	_ =	shalt  }
0x83: {  	_ =	shalt  }
0x84: {  	_ =	shalt  }
0x85: {  	_ =	shalt  }
0x86: {  	_ =	shalt  }
0x87: {  	_ =	shalt  }
.Lfunc_end0:
.L_simem_size_0:
called_computation_lowered:
.L_overlay_start_0:
0x88: {  	s2 =	sld [smem:$0x3FD9]  }
0x89: {  	s3 =	sld [smem:$0x3FFE];
	_ =	sdelay $0x1  }
0x8a: {  	s1 =	srdreg.scid  }
0x8b: {  	s0 =	sand.u32 $0x1, s1  }
0x8c: {  	s16 =	sshll.u32 s0, $0xA;
	s2 =	sadd.s32 s3, s2  }
0x8d: {  	s2 =	sadd.s32 s2, s16  }
0x8e: {  	[smem:$0x3FC0] =	sst s2  }
0x8f: {  	_ = 	snop  }
0x90: {  	(tm) =	ssettm $0x1  }
0x91: {  	s17 =	sld [smem:$0x3FFB];
	_ =	sdelay $0x3  }
0x92: {  	_ =	strace s17  }
0x93: {  	s2 =	sld [smem:$0x3FFC];
	_ =	sdelay $0x3  }
0x94: {  	_ =	strace s2  }
0x95: {  	s2 =	sld [smem:$0x3FFD];
	_ =	sdelay $0x3  }
0x96: {  	_ =	strace s2  }
0x97: {  	_ =	strace $0x8FFFFFFF  }
0x98: {  	s18 =	sld [smem:$0x3FDB];
	_ =	sdelay $0x1  }
0x99: {  	s19 =	simm.s32 $_scs_section_size  }
0x9a: {  	s4 =	simm.s32 $_size__tile_overlayer_lowered;
	s5 =	simm.s32 $_tile_overlayer_lowered  }
0x9b: {  	s22 =	simm.s32 $0x1BFF;
	s21 =	sshll.u32 s5, $0x1;
	s2 =	sadd.s32 s19, s18  }
0x9c: {  	s6 =	simm.s32 $0x0;
	s20 =	sshll.u32 s4, $0x1;
	s4 =	sadd.s32 s21, s2  }
0x9d: {  	[timem:s6], [sflag:s22] =	dma.local [hbm:s4], s20  }
0x9e: {  	_ =	swait.ge [sflag:s22], s20  }
0x9f: {  	s3 =	ssub.s32 $0x0, s20;
	[sflag:s22] =	ssyncset.done $0x0  }
0xa0: {  	[sflag:s22] =	ssyncadd.s32 s3;
	_ =	sdelay $0x1  }
0xa1: {  	s23 =	simm.s32 $0x1B8B  }
0xa2: {  	_ =	swait.ge [sflag:s23], $0x1  }
0xa3: {  	[sflag:s23] =	ssyncset.done $0x0  }
0xa4: {  	s25 =	simm.s32 $0x1B8E;
	s24 =	sld [smem:$0x3FFE];
	[sflag:s23] =	ssyncadd.s32 $0xFFFFFFFF  }
0xa5: {  	s26 =	simm.s32 $execute0_lowered;
	[smem:$0x3FD2] =	sst s25  }
0xa6: {  	s4 =	sshll.u32 s26, $0x1;
	_ =	strace $0x80000046;
	[dreg:$0x1] =	wrdreg $0xFFFFFFFF  }
0xa7: {  	s28 =	simm.s32 $_size_execute0_lowered;
	s2 =	sadd.s32 s2, s4;
	[dreg:$0x0] =	wrdreg $0x0  }
0xa8: {  	s4 =	sshll.u32 s28, $0x1;
	[dreg:$0x2] =	wrdreg s2  }
0xa9: {  	[dreg:$0x3] =	wrdreg s4  }
0xaa: {  	[dreg:$0x4] =	wrdreg $0xC0  }
0xab: {  	_ =	task [dreg:s6], $0x5FFFF  }
0xac: {  	[dreg:$0x1] =	wrdreg $0xFFFFFFFF  }
0xad: {  	[dreg:$0x0] =	wrdreg $0x60  }
0xae: {  	[dreg:$0x2] =	wrdreg s24  }
0xaf: {  	[dreg:$0x3] =	wrdreg $0x37800  }
0xb0: {  	[dreg:$0x4] =	wrdreg $0x9  }
0xb1: {  	_ =	task.clear_ibuf [dreg:s6], $0x5FFFF;
	_ =	strace $0x90000046  }
0xb2: {  	s29 =	simm.s32 $0x9;
	_ =	strace $0x80000048  }
0xb3: {  	_ =	swait.ge [sflag:s29], $0x1  }
0xb4: {  	[sflag:s29] =	ssyncadd.s32 $0xFFFFFFFF  }
0xb5: {  	_ =	strace $0x90000048  }
0xb6: {  	_ =	sfence  }
0xb7: {  	s30 =	sld [smem:$0x0];
	_ =	sdelay $0x2  }
0xb8: {  	s31 =	sshll.u32 s1, $0xD;
	s1 =	sshrl.u32 s1, $0x2  }
0xb9: {  	s3 =	sand.u32 $0x4000, s31;
	s1 =	sadd.s32 s1, s30  }
0xba: {  	s0 =	sor.u32 s3, s0;
	s1 =	sshll.u32 s1, $0x11  }
0xbb: {  	s0 =	sor.u32 s1, s0  }
0xbc: {  	s0 =	sadd.s32 $0x8F2B, s0  }
0xbd: {  	[sflag:s0] =	ssyncadd.remote.s32 $0x1  }
0xbe: {  	_ =	sfence.sel $0xFFFF  }
0xbf: {  	[dreg:$0x0] =	wrdreg $0xFFFFFFFF;
	(pc) =	sbr.abs _section_cstart, $3  }
0xc0: {  	[dreg:$0x1] =	wrdreg $0xFFFFFFFF  }
0xc1: {  	_ =	task.clear_ibuf [dreg:s6], $0x2FFFF;
	_ =	strace $0x9FFFFFFF  }
0xc2: {  	(tm) =	ssettm $0x7FFFFFFF  }
0xc3: {  	_ =	shalt  }
tec
execute0_lowered:
.L_overlay_start_1:
0x0: {  	(tag) =	ssettag $0x1  }
0x1: {  	s0 =	srdreg.scid;
	s7 =	rddreg [dreg:$0x0]  }
0x2: {  	s2 =	rddreg [dreg:$0x1];
	s6 =	sand.u32 $0x1, s0;
	s0 =	stileid.u32  }
0x3: {  	s3 =	simm.s32 $0x0;
	s13 =	simm.s32 $0x80;
	s8 =	smul.u32 $0x9E0, s0  }
0x4: {  	s14 =	simm.s32 $0x0;
	[smem:$0x7FF] =	sst s3;
	s9 =	smul.u32 $0x9E00, s6  }
0x5: {  	s5 =	sadd.s32 $0xBC00, s7;
	s1 =	sshll.u32 s6, $0x4;
	s11 =	smul.u32 $0x13C00, s0  }
0x6: {  	s6 =	ssub.s32 $0x2, s6;
	s31 =	sshll.u32 s0, $0x6;
	s4 =	sor.u32 s0, s1  }
0x7: {  	s1 =	rddreg [dreg:$0x2];
	_ =	strace $0x80000047;
	s28 =	sshrl.u32 s6, $0x1  }
0x8: {  	s4 =	smul.u32 $0x4F0, s4;
	s8 =	sadd.s32 s8, s9;
	s29 =	sshrl.u32 s11, $0x2  }
0x9: {  	s30 =	ssub.s32 s6, s28;
	s6 =	sor.u32 $0x1C01, s31;
	s11 =	simm.s32 $0x1  }
0xa: {  	s8 =	sadd.s32 s8, s7;
	s12 =	sadd.s32 s29, s2;
	s9 =	smax.u32 s30, $0x1  }
0xb: {  	s10 =	sadd.s32 s4, s7;
	s4 =	sadd.s32 $0xBA00, s7;
	s8 =	sadd.s32 $0xC600, s8  }
0xc: {  	s7 =	sadd.s32 $0x1C00, s10;
	s10 =	sshrl.u32 s12, $0x3;
	s12 =	simm.s32 $0x2780  }
.LBB2_1:
0xd: {  	[spmem:s10], [sflag:s6] =	dma.local [hbm:s5], $0x9E0  }
0xe: {  	_ =	swait.ge [sflag:s11], $0x9E0  }
0xf: {  	[sflag:s11] =	ssyncset.done $0x0  }
0x10: {  	[sflag:s11] =	ssyncadd.s32 $0xFFFFF620  }
0x11: {  	[tilespmem:s12], [sflag:$0x1] =	stream.linear.gather [hbm4b:s4+s3], $0x1000, $0x38;
	[tilespmem:$0x8680] =	vst v63  }
0x12: {  	_ =	swait.ge [sflag:s11], $0x1000  }
0x13: {  	[sflag:s11] =	ssyncset.done $0x0  }
0x14: {  	[sflag:s11] =	ssyncadd.s32 $0xFFFFF000  }
0x15: {  	[tilespmem:s3], [sflag:$0x1] =	stream.linear.gather [hbm4b:s7+s3], $0x2780, $0x38;
	[tilespmem:$0x8680] =	vst v63  }
0x16: {  	_ =	swait.ge [sflag:s11], $0x2780  }
0x17: {  	[sflag:s11] =	ssyncset.done $0x0  }
0x18: {  	[sflag:s11] =	ssyncadd.s32 $0xFFFFD880  }
0x19: {  	s15 =	simm.s32 $0x0;
	[bflag:$0x0] =	sbarrier.arrive $0xFFFF  }
0x1a: {  	[spmem:s2] =	stream.indirect.scatter.add.f32 [tilespmem:s12], [sflag:$0x1], $0x20, s15, s13, $0xb8;
	[tilespmem:$0x8680] =	vst v63  }
0x1b: {  	_ =	swait.ge [sflag:s11], $0x1000  }
0x1c: {  	s15 =	simm.s32 $0x200;
	[sflag:s11] =	ssyncset.done $0x0  }
.LBB2_2:
0x1d: {  	s16 =	sshra.s32 s15, $0x2;
	[sflag:s11] =	ssyncadd.s32 $0xFFFFF000;
	p0 =	sne.s32 s15, $0x9C00  }
0x1e: {  	[spmem:s2] =	stream.indirect.scatter.add.f32 [tilespmem:s12], [sflag:$0x1], $0x20, s16, s13, $0xb8;
	[tilespmem:$0x8680] =	vst v63  }
.Ltmp0:
0x1f: {  	_ = 	snop;
	(pc) =	sbr.rel @p0 .LBB2_2-.Ltmp0, $4  }
0x20: {  	_ = 	snop  }
0x21: {  	s15 =	sadd.s32 $0x200, s15  }
0x22: {  	_ =	swait.ge [sflag:s11], $0x1000  }
0x23: {  	[sflag:s11] =	ssyncset.done $0x0  }
0x24: {  	s14 =	sadd.s32 $0x1, s14  }
0x25: {  	[sflag:s11] =	ssyncadd.s32 $0xFFFFF000;
	p0 =	sne.s32 s14, s9  }
.Ltmp1:
0x26: {  	[bflag:$0x0] =	sbarrier.arrive $0xFFFF;
	(pc) =	sbr.rel @p0 .LBB2_1-.Ltmp1, $4  }
0x27: {  	[hbm:s8], [sflag:s6] =	dma.local [spmem:s10], $0x9E0  }
0x28: {  	_ =	swait.ge [sflag:s11], $0x9E0  }
0x29: {  	[sflag:s11] =	ssyncset.done $0x0  }
0x2a: {  	[sflag:s11] =	ssyncadd.s32 $0xFFFFF620  }
0x2b: {  	_ =	sfence.sel $0x180000  }
0x2c: {  	[bflag:$0x0] =	sbarrier.arrive $0xFFFF  }
0x2d: {  	p0 =	sne.s32 s0, $0x0;
	_ =	strace $0x90000047  }
0x2e: {  	s0 =	sadd.s32 @!p0 $0x100000, s1;
	[bflag:$0x2] =	sbarrier.arrive $0xFFFF  }
0x2f: {  	[sflag:s0] =	ssyncadd.tile.s32 @!p0 $0x1;
	_ =	shalt  }
.Lfunc_end2:
_tile_overlayer_lowered:
.L_overlay_start_2:
0x30: {  	(tag) =	ssettag $0x2  }
0x31: {  	s0 =	rddreg [dreg:$0x0];
	s2 =	stileid.u32  }
0x32: {  	s1 =	rddreg [dreg:$0x1];
	p0 =	sne.s32 s2, $0x0  }
0x33: {  	s3 =	rddreg [dreg:$0x2];
	[bflag:$0x3] =	sbarrier.arrive $0xFFFF;
	s2 =	simm.s32 @!p0 $0x1C01  }
0x34: {  	[timem:s3], [sflag:s2] =	dma.local @!p0 [hbm:s0], s1  }
0x35: {  	s0 =	simm.s32 @!p0 $0x1  }
0x36: {  	_ =	swait.ge @!p0 [sflag:s0], s1  }
0x37: {  	s1 =	ssub.s32 @!p0 $0x0, s1;
	[sflag:s0] =	ssyncset.done @!p0 $0x0  }
0x38: {  	[sflag:s0] =	ssyncadd.s32 @!p0 s1  }
0x39: {  	[bflag:$0x3] =	sbarrier.arrive $0xFFFF  }
0x3a: {  	_ =	shalt  }

</sc_bundles>
